<compile_context>
chip_gen: v7x
topology: tpu7x:2x2x1
jax: 0.10.2.dev20260603
libtpu: 0.0.44.dev20260713+nightly
codegen_flags: <defaults>
</compile_context>

<pallas_src>
import functools

import jax
import jax.numpy as jnp
from jax import lax
from jax.experimental import pallas as pl
from jax.experimental.pallas import tpu as pltpu
from jax.experimental.pallas import tpu_sc as plsc

VOCAB_SIZE = 32000
D_MODEL = 4096
BATCH = 4
SEQ_LEN = 8192

B_TOTAL = BATCH * SEQ_LEN
NUM_CORES = 2
NUM_SUBCORES = 16
NW = NUM_CORES * NUM_SUBCORES
B_PER_W = B_TOTAL // NW
CHUNK = 8
NBUF = 3
NCHUNKS = B_PER_W // CHUNK
N_STEADY = (NCHUNKS - 2) // NBUF


_MESH = plsc.VectorSubcoreMesh(
    core_axis_name="c", subcore_axis_name="s",
    num_cores=NUM_CORES, num_subcores=NUM_SUBCORES,
)


@functools.partial(
    pl.kernel,
    out_type=jax.ShapeDtypeStruct((B_TOTAL, D_MODEL), jnp.float32),
    mesh=_MESH,
    scratch_types=[
        pltpu.VMEM((B_PER_W,), jnp.int32),
        pltpu.VMEM((NBUF, CHUNK, D_MODEL), jnp.float32),
        [pltpu.SemaphoreType.DMA] * NBUF,
        [pltpu.SemaphoreType.DMA] * NBUF,
    ],
)
def _gather_kernel(idx_hbm, table_hbm, out_hbm, idx_v, rows_v, gsems, osems):
    wid = lax.axis_index("s") * NUM_CORES + lax.axis_index("c")
    base = wid * B_PER_W
    pltpu.sync_copy(idx_hbm.at[pl.ds(base, B_PER_W)], idx_v)

    def gather_copy(g, b):
        return pltpu.make_async_copy(
            table_hbm.at[idx_v.at[pl.ds(g * CHUNK, CHUNK)]],
            rows_v.at[b],
            gsems[b],
        )

    def out_copy(g, b):
        return pltpu.make_async_copy(
            rows_v.at[b],
            out_hbm.at[pl.ds(base + g * CHUNK, CHUNK)],
            osems[b],
        )

    def step(g, b, head, prefetch):
        nb = (b + 2) % NBUF
        if not head:
            out_copy(g - 1, nb).wait()
        if prefetch:
            gather_copy(g + 2, nb).start()
        gather_copy(g, b).wait()
        out_copy(g, b).start()

    gather_copy(0, 0).start()
    gather_copy(1, 1).start()

    for g in range(NBUF):
        step(g, g, g == 0, g + 2 < NCHUNKS)

    def body(j, carry):
        for b in range(NBUF):
            step(j * NBUF + b, b, False, True)
        return carry

    lax.fori_loop(1, N_STEADY, body, 0)

    for g in range(NBUF * N_STEADY, NCHUNKS):
        step(g, g % NBUF, False, g + 2 < NCHUNKS)

    out_copy(NCHUNKS - 1, (NCHUNKS - 1) % NBUF).wait()


def kernel(text_ids, text_embedding_weight):
    ids = jnp.reshape(text_ids, (B_TOTAL,)).astype(jnp.int32)
    out = _gather_kernel(ids, text_embedding_weight)
    return jnp.reshape(out, (BATCH, SEQ_LEN, D_MODEL))

# --- scband reference (transcript-rebuilt; emitter-appended) ---
"""Pipeline reference for scband-gemini-native-embeddings-1769526526191 (READ-ONLY COPY).

The authoritative reference and input builder live on the scoring server;
editing this copy changes nothing except your own understanding.
"""

import jax, jax.numpy as jnp
import numpy as np

VOCAB_SIZE = 32000
D_MODEL = 4096
BATCH = 4
SEQ_LEN = 8192

def setup_inputs(seed: int = 0) -> dict:
    key = jax.random.key(seed)
    k_idx, k_emb = jax.random.split(key)
    text_ids = jax.random.randint(k_idx, (BATCH, SEQ_LEN), 0, VOCAB_SIZE, dtype=jnp.int64 if jax.config.jax_enable_x64 else jnp.int32)
    # nn.Embedding default init: N(0, 1)
    text_embedding_weight = jax.random.normal(k_emb, (VOCAB_SIZE, D_MODEL), dtype=jnp.float32)
    return {"text_ids": text_ids, "text_embedding_weight": text_embedding_weight}

def reference(text_ids, text_embedding_weight):
    # Faithful translation of GeminiNativeEmbeddings.process_text:
    #   return self.text_embedding(text_ids)
    # nn.Embedding is a pure row-gather from the table.
    return jnp.take(text_embedding_weight, text_ids, axis=0)

if __name__ == "__main__":
    import jax
    _d = setup_inputs()
    print(jax.jit(kernel)(*tuple(_d.values())))

</pallas_src>

<mosaic_0001>
#map = affine_map<(d0, d1) -> (0)>
#map1 = affine_map<(d0, d1) -> (0, 0)>
module attributes {stable_mosaic.version = 14 : i64} {
  func.func @_gather_kernel(%arg0: i32, %arg1: i32, %arg2: memref<32768xi32, #tpu.memory_space<hbm>>, %arg3: memref<32000x4096xf32, #tpu.memory_space<hbm>>, %arg4: memref<32768x4096xf32, #tpu.memory_space<hbm>>, %arg5: memref<1024xi32, #tpu.memory_space<vmem>>, %arg6: memref<3x8x4096xf32, #tpu.memory_space<vmem>>, %arg7: memref<!tpu.dma_semaphore, #tpu.memory_space<semaphore_mem>>, %arg8: memref<!tpu.dma_semaphore, #tpu.memory_space<semaphore_mem>>, %arg9: memref<!tpu.dma_semaphore, #tpu.memory_space<semaphore_mem>>, %arg10: memref<!tpu.dma_semaphore, #tpu.memory_space<semaphore_mem>>, %arg11: memref<!tpu.dma_semaphore, #tpu.memory_space<semaphore_mem>>, %arg12: memref<!tpu.dma_semaphore, #tpu.memory_space<semaphore_mem>>) attributes {dimension_semantics = [#tpu.dimension_semantics<core_parallel>, #tpu.dimension_semantics<subcore_parallel>], iteration_bounds = array<i64: 2, 16>, scalar_prefetch = 0 : i64, scratch_operands = 8 : i64, tpu.core_type = #tpu.core_type<sc_vector_subcore>, window_params = [{transform_indices = #map}, {transform_indices = #map1}, {transform_indices = #map1}]} {
    %mul3A = arith.constant 2 : i32
    %mul3A_0 = arith.muli %arg1, %mul3A : i32
    %add3A = arith.addi %mul3A_0, %arg0 : i32
    %mul3A_1 = arith.constant 1024 : i32
    %mul3A_2 = arith.muli %add3A, %mul3A_1 : i32
    "tpu.region"() ({
      %run_scoped3A = tpu.sem_alloc : memref<!tpu.dma_semaphore, #tpu.memory_space<semaphore_mem>>
      %dma_start3A_256 = tpu.memref_slice %arg2[%mul3A_2] : memref<32768xi32, #tpu.memory_space<hbm>> -> memref<1024xi32, #tpu.memory_space<hbm>>
      %dma_start3A_257 = tpu.memref_slice %arg2[%mul3A_2] : memref<32768xi32, #tpu.memory_space<hbm>> -> memref<1024xi32, #tpu.memory_space<hbm>>
      tpu.enqueue_dma source(%dma_start3A_257 : memref<1024xi32, #tpu.memory_space<hbm>>) target(%arg5 : memref<1024xi32, #tpu.memory_space<vmem>>) target_semaphore(%run_scoped3A : memref<!tpu.dma_semaphore, #tpu.memory_space<semaphore_mem>>)
      %dma_wait3A_258 = tpu.memref_slice %arg2[%mul3A_2] : memref<32768xi32, #tpu.memory_space<hbm>> -> memref<1024xi32, #tpu.memory_space<hbm>>
      %dma_wait3A_259 = tpu.memref_slice %arg2[%mul3A_2] : memref<32768xi32, #tpu.memory_space<hbm>> -> memref<1024xi32, #tpu.memory_space<hbm>>
      tpu.wait_dma2 semaphore(%run_scoped3A : memref<!tpu.dma_semaphore, #tpu.memory_space<semaphore_mem>>) src(%dma_wait3A_259 : memref<1024xi32, #tpu.memory_space<hbm>>) dst(%arg5 : memref<1024xi32, #tpu.memory_space<vmem>>)
      tpu.yield
    }) : () -> ()
    %dma_start3A = arith.constant 0 : i32
    %dma_start3A_3 = arith.constant 0 : i32
    %dma_start3A_4 = arith.constant 0 : i32
    %dma_start3A_5 = tpu.memref_slice %arg6[%dma_start3A, %dma_start3A_3, %dma_start3A_4] : memref<3x8x4096xf32, #tpu.memory_space<vmem>> -> memref<1x8x4096xf32, #tpu.memory_space<vmem>>
    %dma_start3A_6 = tpu.memref_squeeze %dma_start3A_5 : memref<1x8x4096xf32, #tpu.memory_space<vmem>> -> memref<8x4096xf32, #tpu.memory_space<vmem>>
    %dma_start3A_7 = arith.constant 0 : i32
    %dma_start3A_8 = tpu.memref_slice %arg5[%dma_start3A_7] : memref<1024xi32, #tpu.memory_space<vmem>> -> memref<8xi32, #tpu.memory_space<vmem>>
    %dma_start3A_9 = arith.constant 0 : i32
    %dma_start3A_10 = arith.constant 0 : i32
    %dma_start3A_11 = tpu.memref_slice %arg3[%dma_start3A_9, %dma_start3A_10] : memref<32000x4096xf32, #tpu.memory_space<hbm>> -> memref<32000x4096xf32, #tpu.memory_space<hbm>>
    tpu.enqueue_indirect_dma source(%dma_start3A_11 : memref<32000x4096xf32, #tpu.memory_space<hbm>>) target(%dma_start3A_6 : memref<8x4096xf32, #tpu.memory_space<vmem>>) offsets(%dma_start3A_8 : memref<8xi32, #tpu.memory_space<vmem>>) semaphore(%arg7 : memref<!tpu.dma_semaphore, #tpu.memory_space<semaphore_mem>>)
    %dma_start3A_12 = arith.constant 1 : i32
    %dma_start3A_13 = arith.constant 0 : i32
    %dma_start3A_14 = arith.constant 0 : i32
    %dma_start3A_15 = tpu.memref_slice %arg6[%dma_start3A_12, %dma_start3A_13, %dma_start3A_14] : memref<3x8x4096xf32, #tpu.memory_space<vmem>> -> memref<1x8x4096xf32, #tpu.memory_space<vmem>>
    %dma_start3A_16 = tpu.memref_squeeze %dma_start3A_15 : memref<1x8x4096xf32, #tpu.memory_space<vmem>> -> memref<8x4096xf32, #tpu.memory_space<vmem>>
    %dma_start3A_17 = arith.constant 8 : i32
    %dma_start3A_18 = tpu.memref_slice %arg5[%dma_start3A_17] : memref<1024xi32, #tpu.memory_space<vmem>> -> memref<8xi32, #tpu.memory_space<vmem>>
    %dma_start3A_19 = arith.constant 0 : i32
    %dma_start3A_20 = arith.constant 0 : i32
    %dma_start3A_21 = tpu.memref_slice %arg3[%dma_start3A_19, %dma_start3A_20] : memref<32000x4096xf32, #tpu.memory_space<hbm>> -> memref<32000x4096xf32, #tpu.memory_space<hbm>>
    tpu.enqueue_indirect_dma source(%dma_start3A_21 : memref<32000x4096xf32, #tpu.memory_space<hbm>>) target(%dma_start3A_16 : memref<8x4096xf32, #tpu.memory_space<vmem>>) offsets(%dma_start3A_18 : memref<8xi32, #tpu.memory_space<vmem>>) semaphore(%arg8 : memref<!tpu.dma_semaphore, #tpu.memory_space<semaphore_mem>>)
    %dma_start3A_22 = arith.constant 2 : i32
    %dma_start3A_23 = arith.constant 0 : i32
    %dma_start3A_24 = arith.constant 0 : i32
    %dma_start3A_25 = tpu.memref_slice %arg6[%dma_start3A_22, %dma_start3A_23, %dma_start3A_24] : memref<3x8x4096xf32, #tpu.memory_space<vmem>> -> memref<1x8x4096xf32, #tpu.memory_space<vmem>>
    %dma_start3A_26 = tpu.memref_squeeze %dma_start3A_25 : memref<1x8x4096xf32, #tpu.memory_space<vmem>> -> memref<8x4096xf32, #tpu.memory_space<vmem>>
    %dma_start3A_27 = arith.constant 16 : i32
    %dma_start3A_28 = tpu.memref_slice %arg5[%dma_start3A_27] : memref<1024xi32, #tpu.memory_space<vmem>> -> memref<8xi32, #tpu.memory_space<vmem>>
    %dma_start3A_29 = arith.constant 0 : i32
    %dma_start3A_30 = arith.constant 0 : i32
    %dma_start3A_31 = tpu.memref_slice %arg3[%dma_start3A_29, %dma_start3A_30] : memref<32000x4096xf32, #tpu.memory_space<hbm>> -> memref<32000x4096xf32, #tpu.memory_space<hbm>>
    tpu.enqueue_indirect_dma source(%dma_start3A_31 : memref<32000x4096xf32, #tpu.memory_space<hbm>>) target(%dma_start3A_26 : memref<8x4096xf32, #tpu.memory_space<vmem>>) offsets(%dma_start3A_28 : memref<8xi32, #tpu.memory_space<vmem>>) semaphore(%arg9 : memref<!tpu.dma_semaphore, #tpu.memory_space<semaphore_mem>>)
    %dma_wait3A = arith.constant 0 : i32
    %dma_wait3A_32 = arith.constant 0 : i32
    %dma_wait3A_33 = arith.constant 0 : i32
    %dma_wait3A_34 = tpu.memref_slice %arg6[%dma_wait3A, %dma_wait3A_32, %dma_wait3A_33] : memref<3x8x4096xf32, #tpu.memory_space<vmem>> -> memref<1x8x4096xf32, #tpu.memory_space<vmem>>
    %dma_wait3A_35 = tpu.memref_squeeze %dma_wait3A_34 : memref<1x8x4096xf32, #tpu.memory_space<vmem>> -> memref<8x4096xf32, #tpu.memory_space<vmem>>
    %dma_wait3A_36 = arith.constant 0 : i32
    %dma_wait3A_37 = tpu.memref_slice %arg5[%dma_wait3A_36] : memref<1024xi32, #tpu.memory_space<vmem>> -> memref<8xi32, #tpu.memory_space<vmem>>
    %dma_wait3A_38 = arith.constant 0 : i32
    %dma_wait3A_39 = arith.constant 0 : i32
    %dma_wait3A_40 = tpu.memref_slice %arg3[%dma_wait3A_38, %dma_wait3A_39] : memref<32000x4096xf32, #tpu.memory_space<hbm>> -> memref<32000x4096xf32, #tpu.memory_space<hbm>>
    tpu.wait_indirect_dma semaphore(%arg7 : memref<!tpu.dma_semaphore, #tpu.memory_space<semaphore_mem>>) src(%dma_wait3A_40 : memref<32000x4096xf32, #tpu.memory_space<hbm>>) dst(%dma_wait3A_35 : memref<8x4096xf32, #tpu.memory_space<vmem>>)
    %add3A_41 = arith.constant 0 : i32
    %add3A_42 = arith.addi %mul3A_2, %add3A_41 : i32
    %dma_start3A_43 = arith.constant 0 : i32
    %dma_start3A_44 = arith.constant 0 : i32
    %dma_start3A_45 = arith.constant 0 : i32
    %dma_start3A_46 = tpu.memref_slice %arg6[%dma_start3A_43, %dma_start3A_44, %dma_start3A_45] : memref<3x8x4096xf32, #tpu.memory_space<vmem>> -> memref<1x8x4096xf32, #tpu.memory_space<vmem>>
    %dma_start3A_47 = tpu.memref_squeeze %dma_start3A_46 : memref<1x8x4096xf32, #tpu.memory_space<vmem>> -> memref<8x4096xf32, #tpu.memory_space<vmem>>
    %dma_start3A_48 = arith.constant 0 : i32
    %dma_start3A_49 = tpu.memref_slice %arg4[%add3A_42, %dma_start3A_48] : memref<32768x4096xf32, #tpu.memory_space<hbm>> -> memref<8x4096xf32, #tpu.memory_space<hbm>>
    %dma_start3A_50 = arith.constant 0 : i32
    %dma_start3A_51 = tpu.memref_slice %arg4[%add3A_42, %dma_start3A_50] : memref<32768x4096xf32, #tpu.memory_space<hbm>> -> memref<8x4096xf32, #tpu.memory_space<hbm>>
    %dma_start3A_52 = arith.constant 0 : i32
    %dma_start3A_53 = arith.constant 0 : i32
    %dma_start3A_54 = tpu.memref_slice %arg6[%dma_start3A_43, %dma_start3A_52, %dma_start3A_53] : memref<3x8x4096xf32, #tpu.memory_space<vmem>> -> memref<1x8x4096xf32, #tpu.memory_space<vmem>>
    %dma_start3A_55 = tpu.memref_squeeze %dma_start3A_54 : memref<1x8x4096xf32, #tpu.memory_space<vmem>> -> memref<8x4096xf32, #tpu.memory_space<vmem>>
    tpu.enqueue_dma source(%dma_start3A_55 : memref<8x4096xf32, #tpu.memory_space<vmem>>) target(%dma_start3A_51 : memref<8x4096xf32, #tpu.memory_space<hbm>>) target_semaphore(%arg10 : memref<!tpu.dma_semaphore, #tpu.memory_space<semaphore_mem>>)
    %add3A_56 = arith.constant 0 : i32
    %add3A_57 = arith.addi %mul3A_2, %add3A_56 : i32
    %dma_wait3A_58 = arith.constant 0 : i32
    %dma_wait3A_59 = arith.constant 0 : i32
    %dma_wait3A_60 = arith.constant 0 : i32
    %dma_wait3A_61 = tpu.memref_slice %arg6[%dma_wait3A_58, %dma_wait3A_59, %dma_wait3A_60] : memref<3x8x4096xf32, #tpu.memory_space<vmem>> -> memref<1x8x4096xf32, #tpu.memory_space<vmem>>
    %dma_wait3A_62 = tpu.memref_squeeze %dma_wait3A_61 : memref<1x8x4096xf32, #tpu.memory_space<vmem>> -> memref<8x4096xf32, #tpu.memory_space<vmem>>
    %dma_wait3A_63 = arith.constant 0 : i32
    %dma_wait3A_64 = tpu.memref_slice %arg4[%add3A_57, %dma_wait3A_63] : memref<32768x4096xf32, #tpu.memory_space<hbm>> -> memref<8x4096xf32, #tpu.memory_space<hbm>>
    %dma_wait3A_65 = arith.constant 0 : i32
    %dma_wait3A_66 = tpu.memref_slice %arg4[%add3A_57, %dma_wait3A_65] : memref<32768x4096xf32, #tpu.memory_space<hbm>> -> memref<8x4096xf32, #tpu.memory_space<hbm>>
    %dma_wait3A_67 = arith.constant 0 : i32
    %dma_wait3A_68 = arith.constant 0 : i32
    %dma_wait3A_69 = tpu.memref_slice %arg6[%dma_wait3A_58, %dma_wait3A_67, %dma_wait3A_68] : memref<3x8x4096xf32, #tpu.memory_space<vmem>> -> memref<1x8x4096xf32, #tpu.memory_space<vmem>>
    %dma_wait3A_70 = tpu.memref_squeeze %dma_wait3A_69 : memref<1x8x4096xf32, #tpu.memory_space<vmem>> -> memref<8x4096xf32, #tpu.memory_space<vmem>>
    tpu.wait_dma2 semaphore(%arg10 : memref<!tpu.dma_semaphore, #tpu.memory_space<semaphore_mem>>) src(%dma_wait3A_70 : memref<8x4096xf32, #tpu.memory_space<vmem>>) dst(%dma_wait3A_66 : memref<8x4096xf32, #tpu.memory_space<hbm>>)
    %dma_start3A_71 = arith.constant 0 : i32
    %dma_start3A_72 = arith.constant 0 : i32
    %dma_start3A_73 = arith.constant 0 : i32
    %dma_start3A_74 = tpu.memref_slice %arg6[%dma_start3A_71, %dma_start3A_72, %dma_start3A_73] : memref<3x8x4096xf32, #tpu.memory_space<vmem>> -> memref<1x8x4096xf32, #tpu.memory_space<vmem>>
    %dma_start3A_75 = tpu.memref_squeeze %dma_start3A_74 : memref<1x8x4096xf32, #tpu.memory_space<vmem>> -> memref<8x4096xf32, #tpu.memory_space<vmem>>
    %dma_start3A_76 = arith.constant 24 : i32
    %dma_start3A_77 = tpu.memref_slice %arg5[%dma_start3A_76] : memref<1024xi32, #tpu.memory_space<vmem>> -> memref<8xi32, #tpu.memory_space<vmem>>
    %dma_start3A_78 = arith.constant 0 : i32
    %dma_start3A_79 = arith.constant 0 : i32
    %dma_start3A_80 = tpu.memref_slice %arg3[%dma_start3A_78, %dma_start3A_79] : memref<32000x4096xf32, #tpu.memory_space<hbm>> -> memref<32000x4096xf32, #tpu.memory_space<hbm>>
    tpu.enqueue_indirect_dma source(%dma_start3A_80 : memref<32000x4096xf32, #tpu.memory_space<hbm>>) target(%dma_start3A_75 : memref<8x4096xf32, #tpu.memory_space<vmem>>) offsets(%dma_start3A_77 : memref<8xi32, #tpu.memory_space<vmem>>) semaphore(%arg7 : memref<!tpu.dma_semaphore, #tpu.memory_space<semaphore_mem>>)
    %dma_wait3A_81 = arith.constant 1 : i32
    %dma_wait3A_82 = arith.constant 0 : i32
    %dma_wait3A_83 = arith.constant 0 : i32
    %dma_wait3A_84 = tpu.memref_slice %arg6[%dma_wait3A_81, %dma_wait3A_82, %dma_wait3A_83] : memref<3x8x4096xf32, #tpu.memory_space<vmem>> -> memref<1x8x4096xf32, #tpu.memory_space<vmem>>
    %dma_wait3A_85 = tpu.memref_squeeze %dma_wait3A_84 : memref<1x8x4096xf32, #tpu.memory_space<vmem>> -> memref<8x4096xf32, #tpu.memory_space<vmem>>
    %dma_wait3A_86 = arith.constant 8 : i32
    %dma_wait3A_87 = tpu.memref_slice %arg5[%dma_wait3A_86] : memref<1024xi32, #tpu.memory_space<vmem>> -> memref<8xi32, #tpu.memory_space<vmem>>
    %dma_wait3A_88 = arith.constant 0 : i32
    %dma_wait3A_89 = arith.constant 0 : i32
    %dma_wait3A_90 = tpu.memref_slice %arg3[%dma_wait3A_88, %dma_wait3A_89] : memref<32000x4096xf32, #tpu.memory_space<hbm>> -> memref<32000x4096xf32, #tpu.memory_space<hbm>>
    tpu.wait_indirect_dma semaphore(%arg8 : memref<!tpu.dma_semaphore, #tpu.memory_space<semaphore_mem>>) src(%dma_wait3A_90 : memref<32000x4096xf32, #tpu.memory_space<hbm>>) dst(%dma_wait3A_85 : memref<8x4096xf32, #tpu.memory_space<vmem>>)
    %add3A_91 = arith.constant 8 : i32
    %add3A_92 = arith.addi %mul3A_2, %add3A_91 : i32
    %dma_start3A_93 = arith.constant 1 : i32
    %dma_start3A_94 = arith.constant 0 : i32
    %dma_start3A_95 = arith.constant 0 : i32
    %dma_start3A_96 = tpu.memref_slice %arg6[%dma_start3A_93, %dma_start3A_94, %dma_start3A_95] : memref<3x8x4096xf32, #tpu.memory_space<vmem>> -> memref<1x8x4096xf32, #tpu.memory_space<vmem>>
    %dma_start3A_97 = tpu.memref_squeeze %dma_start3A_96 : memref<1x8x4096xf32, #tpu.memory_space<vmem>> -> memref<8x4096xf32, #tpu.memory_space<vmem>>
    %dma_start3A_98 = arith.constant 0 : i32
    %dma_start3A_99 = tpu.memref_slice %arg4[%add3A_92, %dma_start3A_98] : memref<32768x4096xf32, #tpu.memory_space<hbm>> -> memref<8x4096xf32, #tpu.memory_space<hbm>>
    %dma_start3A_100 = arith.constant 0 : i32
    %dma_start3A_101 = tpu.memref_slice %arg4[%add3A_92, %dma_start3A_100] : memref<32768x4096xf32, #tpu.memory_space<hbm>> -> memref<8x4096xf32, #tpu.memory_space<hbm>>
    %dma_start3A_102 = arith.constant 0 : i32
    %dma_start3A_103 = arith.constant 0 : i32
    %dma_start3A_104 = tpu.memref_slice %arg6[%dma_start3A_93, %dma_start3A_102, %dma_start3A_103] : memref<3x8x4096xf32, #tpu.memory_space<vmem>> -> memref<1x8x4096xf32, #tpu.memory_space<vmem>>
    %dma_start3A_105 = tpu.memref_squeeze %dma_start3A_104 : memref<1x8x4096xf32, #tpu.memory_space<vmem>> -> memref<8x4096xf32, #tpu.memory_space<vmem>>
    tpu.enqueue_dma source(%dma_start3A_105 : memref<8x4096xf32, #tpu.memory_space<vmem>>) target(%dma_start3A_101 : memref<8x4096xf32, #tpu.memory_space<hbm>>) target_semaphore(%arg11 : memref<!tpu.dma_semaphore, #tpu.memory_space<semaphore_mem>>)
    %add3A_106 = arith.constant 8 : i32
    %add3A_107 = arith.addi %mul3A_2, %add3A_106 : i32
    %dma_wait3A_108 = arith.constant 1 : i32
    %dma_wait3A_109 = arith.constant 0 : i32
    %dma_wait3A_110 = arith.constant 0 : i32
    %dma_wait3A_111 = tpu.memref_slice %arg6[%dma_wait3A_108, %dma_wait3A_109, %dma_wait3A_110] : memref<3x8x4096xf32, #tpu.memory_space<vmem>> -> memref<1x8x4096xf32, #tpu.memory_space<vmem>>
    %dma_wait3A_112 = tpu.memref_squeeze %dma_wait3A_111 : memref<1x8x4096xf32, #tpu.memory_space<vmem>> -> memref<8x4096xf32, #tpu.memory_space<vmem>>
    %dma_wait3A_113 = arith.constant 0 : i32
    %dma_wait3A_114 = tpu.memref_slice %arg4[%add3A_107, %dma_wait3A_113] : memref<32768x4096xf32, #tpu.memory_space<hbm>> -> memref<8x4096xf32, #tpu.memory_space<hbm>>
    %dma_wait3A_115 = arith.constant 0 : i32
    %dma_wait3A_116 = tpu.memref_slice %arg4[%add3A_107, %dma_wait3A_115] : memref<32768x4096xf32, #tpu.memory_space<hbm>> -> memref<8x4096xf32, #tpu.memory_space<hbm>>
    %dma_wait3A_117 = arith.constant 0 : i32
    %dma_wait3A_118 = arith.constant 0 : i32
    %dma_wait3A_119 = tpu.memref_slice %arg6[%dma_wait3A_108, %dma_wait3A_117, %dma_wait3A_118] : memref<3x8x4096xf32, #tpu.memory_space<vmem>> -> memref<1x8x4096xf32, #tpu.memory_space<vmem>>
    %dma_wait3A_120 = tpu.memref_squeeze %dma_wait3A_119 : memref<1x8x4096xf32, #tpu.memory_space<vmem>> -> memref<8x4096xf32, #tpu.memory_space<vmem>>
    tpu.wait_dma2 semaphore(%arg11 : memref<!tpu.dma_semaphore, #tpu.memory_space<semaphore_mem>>) src(%dma_wait3A_120 : memref<8x4096xf32, #tpu.memory_space<vmem>>) dst(%dma_wait3A_116 : memref<8x4096xf32, #tpu.memory_space<hbm>>)
    %dma_start3A_121 = arith.constant 1 : i32
    %dma_start3A_122 = arith.constant 0 : i32
    %dma_start3A_123 = arith.constant 0 : i32
    %dma_start3A_124 = tpu.memref_slice %arg6[%dma_start3A_121, %dma_start3A_122, %dma_start3A_123] : memref<3x8x4096xf32, #tpu.memory_space<vmem>> -> memref<1x8x4096xf32, #tpu.memory_space<vmem>>
    %dma_start3A_125 = tpu.memref_squeeze %dma_start3A_124 : memref<1x8x4096xf32, #tpu.memory_space<vmem>> -> memref<8x4096xf32, #tpu.memory_space<vmem>>
    %dma_start3A_126 = arith.constant 32 : i32
    %dma_start3A_127 = tpu.memref_slice %arg5[%dma_start3A_126] : memref<1024xi32, #tpu.memory_space<vmem>> -> memref<8xi32, #tpu.memory_space<vmem>>
    %dma_start3A_128 = arith.constant 0 : i32
    %dma_start3A_129 = arith.constant 0 : i32
    %dma_start3A_130 = tpu.memref_slice %arg3[%dma_start3A_128, %dma_start3A_129] : memref<32000x4096xf32, #tpu.memory_space<hbm>> -> memref<32000x4096xf32, #tpu.memory_space<hbm>>
    tpu.enqueue_indirect_dma source(%dma_start3A_130 : memref<32000x4096xf32, #tpu.memory_space<hbm>>) target(%dma_start3A_125 : memref<8x4096xf32, #tpu.memory_space<vmem>>) offsets(%dma_start3A_127 : memref<8xi32, #tpu.memory_space<vmem>>) semaphore(%arg8 : memref<!tpu.dma_semaphore, #tpu.memory_space<semaphore_mem>>)
    %dma_wait3A_131 = arith.constant 2 : i32
    %dma_wait3A_132 = arith.constant 0 : i32
    %dma_wait3A_133 = arith.constant 0 : i32
    %dma_wait3A_134 = tpu.memref_slice %arg6[%dma_wait3A_131, %dma_wait3A_132, %dma_wait3A_133] : memref<3x8x4096xf32, #tpu.memory_space<vmem>> -> memref<1x8x4096xf32, #tpu.memory_space<vmem>>
    %dma_wait3A_135 = tpu.memref_squeeze %dma_wait3A_134 : memref<1x8x4096xf32, #tpu.memory_space<vmem>> -> memref<8x4096xf32, #tpu.memory_space<vmem>>
    %dma_wait3A_136 = arith.constant 16 : i32
    %dma_wait3A_137 = tpu.memref_slice %arg5[%dma_wait3A_136] : memref<1024xi32, #tpu.memory_space<vmem>> -> memref<8xi32, #tpu.memory_space<vmem>>
    %dma_wait3A_138 = arith.constant 0 : i32
    %dma_wait3A_139 = arith.constant 0 : i32
    %dma_wait3A_140 = tpu.memref_slice %arg3[%dma_wait3A_138, %dma_wait3A_139] : memref<32000x4096xf32, #tpu.memory_space<hbm>> -> memref<32000x4096xf32, #tpu.memory_space<hbm>>
    tpu.wait_indirect_dma semaphore(%arg9 : memref<!tpu.dma_semaphore, #tpu.memory_space<semaphore_mem>>) src(%dma_wait3A_140 : memref<32000x4096xf32, #tpu.memory_space<hbm>>) dst(%dma_wait3A_135 : memref<8x4096xf32, #tpu.memory_space<vmem>>)
    %add3A_141 = arith.constant 16 : i32
    %add3A_142 = arith.addi %mul3A_2, %add3A_141 : i32
    %dma_start3A_143 = arith.constant 2 : i32
    %dma_start3A_144 = arith.constant 0 : i32
    %dma_start3A_145 = arith.constant 0 : i32
    %dma_start3A_146 = tpu.memref_slice %arg6[%dma_start3A_143, %dma_start3A_144, %dma_start3A_145] : memref<3x8x4096xf32, #tpu.memory_space<vmem>> -> memref<1x8x4096xf32, #tpu.memory_space<vmem>>
    %dma_start3A_147 = tpu.memref_squeeze %dma_start3A_146 : memref<1x8x4096xf32, #tpu.memory_space<vmem>> -> memref<8x4096xf32, #tpu.memory_space<vmem>>
    %dma_start3A_148 = arith.constant 0 : i32
    %dma_start3A_149 = tpu.memref_slice %arg4[%add3A_142, %dma_start3A_148] : memref<32768x4096xf32, #tpu.memory_space<hbm>> -> memref<8x4096xf32, #tpu.memory_space<hbm>>
    %dma_start3A_150 = arith.constant 0 : i32
    %dma_start3A_151 = tpu.memref_slice %arg4[%add3A_142, %dma_start3A_150] : memref<32768x4096xf32, #tpu.memory_space<hbm>> -> memref<8x4096xf32, #tpu.memory_space<hbm>>
    %dma_start3A_152 = arith.constant 0 : i32
    %dma_start3A_153 = arith.constant 0 : i32
    %dma_start3A_154 = tpu.memref_slice %arg6[%dma_start3A_143, %dma_start3A_152, %dma_start3A_153] : memref<3x8x4096xf32, #tpu.memory_space<vmem>> -> memref<1x8x4096xf32, #tpu.memory_space<vmem>>
    %dma_start3A_155 = tpu.memref_squeeze %dma_start3A_154 : memref<1x8x4096xf32, #tpu.memory_space<vmem>> -> memref<8x4096xf32, #tpu.memory_space<vmem>>
    tpu.enqueue_dma source(%dma_start3A_155 : memref<8x4096xf32, #tpu.memory_space<vmem>>) target(%dma_start3A_151 : memref<8x4096xf32, #tpu.memory_space<hbm>>) target_semaphore(%arg12 : memref<!tpu.dma_semaphore, #tpu.memory_space<semaphore_mem>>)
    %scan3A = arith.constant 0 : i32
    %scan3A_156 = arith.constant 1 : i32
    %scan3A_157 = arith.constant 41 : i32
    %scan3A_158 = arith.addi %scan3A_156, %scan3A_157 : i32
    %scan3A_159 = arith.constant 1 : i32
    scf.for %scan3A_256 = %scan3A_156 to %scan3A_158 step %scan3A_159  : i32 {
      %mul3A_257 = arith.constant 3 : i32
      %mul3A_258 = arith.muli %scan3A_256, %mul3A_257 : i32
      %add3A_259 = arith.constant 0 : i32
      %add3A_260 = arith.addi %mul3A_258, %add3A_259 : i32
      %sub3A = arith.constant 1 : i32
      %sub3A_261 = arith.subi %add3A_260, %sub3A : i32
      %mul3A_262 = arith.constant 8 : i32
      %mul3A_263 = arith.muli %sub3A_261, %mul3A_262 : i32
      %add3A_264 = arith.addi %mul3A_2, %mul3A_263 : i32
      %dma_wait3A_265 = arith.constant 2 : i32
      %dma_wait3A_266 = arith.constant 0 : i32
      %dma_wait3A_267 = arith.constant 0 : i32
      %dma_wait3A_268 = tpu.memref_slice %arg6[%dma_wait3A_265, %dma_wait3A_266, %dma_wait3A_267] : memref<3x8x4096xf32, #tpu.memory_space<vmem>> -> memref<1x8x4096xf32, #tpu.memory_space<vmem>>
      %dma_wait3A_269 = tpu.memref_squeeze %dma_wait3A_268 : memref<1x8x4096xf32, #tpu.memory_space<vmem>> -> memref<8x4096xf32, #tpu.memory_space<vmem>>
      %dma_wait3A_270 = arith.constant 0 : i32
      %dma_wait3A_271 = tpu.memref_slice %arg4[%add3A_264, %dma_wait3A_270] : memref<32768x4096xf32, #tpu.memory_space<hbm>> -> memref<8x4096xf32, #tpu.memory_space<hbm>>
      %dma_wait3A_272 = arith.constant 0 : i32
      %dma_wait3A_273 = tpu.memref_slice %arg4[%add3A_264, %dma_wait3A_272] : memref<32768x4096xf32, #tpu.memory_space<hbm>> -> memref<8x4096xf32, #tpu.memory_space<hbm>>
      %dma_wait3A_274 = arith.constant 0 : i32
      %dma_wait3A_275 = arith.constant 0 : i32
      %dma_wait3A_276 = tpu.memref_slice %arg6[%dma_wait3A_265, %dma_wait3A_274, %dma_wait3A_275] : memref<3x8x4096xf32, #tpu.memory_space<vmem>> -> memref<1x8x4096xf32, #tpu.memory_space<vmem>>
      %dma_wait3A_277 = tpu.memref_squeeze %dma_wait3A_276 : memref<1x8x4096xf32, #tpu.memory_space<vmem>> -> memref<8x4096xf32, #tpu.memory_space<vmem>>
      tpu.wait_dma2 semaphore(%arg12 : memref<!tpu.dma_semaphore, #tpu.memory_space<semaphore_mem>>) src(%dma_wait3A_277 : memref<8x4096xf32, #tpu.memory_space<vmem>>) dst(%dma_wait3A_273 : memref<8x4096xf32, #tpu.memory_space<hbm>>)
      %add3A_278 = arith.constant 2 : i32
      %add3A_279 = arith.addi %add3A_260, %add3A_278 : i32
      %mul3A_280 = arith.constant 8 : i32
      %mul3A_281 = arith.muli %add3A_279, %mul3A_280 : i32
      %dma_start3A_282 = arith.constant 2 : i32
      %dma_start3A_283 = arith.constant 0 : i32
      %dma_start3A_284 = arith.constant 0 : i32
      %dma_start3A_285 = tpu.memref_slice %arg6[%dma_start3A_282, %dma_start3A_283, %dma_start3A_284] : memref<3x8x4096xf32, #tpu.memory_space<vmem>> -> memref<1x8x4096xf32, #tpu.memory_space<vmem>>
      %dma_start3A_286 = tpu.memref_squeeze %dma_start3A_285 : memref<1x8x4096xf32, #tpu.memory_space<vmem>> -> memref<8x4096xf32, #tpu.memory_space<vmem>>
      %dma_start3A_287 = tpu.memref_slice %arg5[%mul3A_281] : memref<1024xi32, #tpu.memory_space<vmem>> -> memref<8xi32, #tpu.memory_space<vmem>>
      %dma_start3A_288 = arith.constant 0 : i32
      %dma_start3A_289 = arith.constant 0 : i32
      %dma_start3A_290 = tpu.memref_slice %arg3[%dma_start3A_288, %dma_start3A_289] : memref<32000x4096xf32, #tpu.memory_space<hbm>> -> memref<32000x4096xf32, #tpu.memory_space<hbm>>
      tpu.enqueue_indirect_dma source(%dma_start3A_290 : memref<32000x4096xf32, #tpu.memory_space<hbm>>) target(%dma_start3A_286 : memref<8x4096xf32, #tpu.memory_space<vmem>>) offsets(%dma_start3A_287 : memref<8xi32, #tpu.memory_space<vmem>>) semaphore(%arg9 : memref<!tpu.dma_semaphore, #tpu.memory_space<semaphore_mem>>)
      %mul3A_291 = arith.constant 8 : i32
      %mul3A_292 = arith.muli %add3A_260, %mul3A_291 : i32
      %dma_wait3A_293 = arith.constant 0 : i32
      %dma_wait3A_294 = arith.constant 0 : i32
      %dma_wait3A_295 = arith.constant 0 : i32
      %dma_wait3A_296 = tpu.memref_slice %arg6[%dma_wait3A_293, %dma_wait3A_294, %dma_wait3A_295] : memref<3x8x4096xf32, #tpu.memory_space<vmem>> -> memref<1x8x4096xf32, #tpu.memory_space<vmem>>
      %dma_wait3A_297 = tpu.memref_squeeze %dma_wait3A_296 : memref<1x8x4096xf32, #tpu.memory_space<vmem>> -> memref<8x4096xf32, #tpu.memory_space<vmem>>
      %dma_wait3A_298 = tpu.memref_slice %arg5[%mul3A_292] : memref<1024xi32, #tpu.memory_space<vmem>> -> memref<8xi32, #tpu.memory_space<vmem>>
      %dma_wait3A_299 = arith.constant 0 : i32
      %dma_wait3A_300 = arith.constant 0 : i32
      %dma_wait3A_301 = tpu.memref_slice %arg3[%dma_wait3A_299, %dma_wait3A_300] : memref<32000x4096xf32, #tpu.memory_space<hbm>> -> memref<32000x4096xf32, #tpu.memory_space<hbm>>
      tpu.wait_indirect_dma semaphore(%arg7 : memref<!tpu.dma_semaphore, #tpu.memory_space<semaphore_mem>>) src(%dma_wait3A_301 : memref<32000x4096xf32, #tpu.memory_space<hbm>>) dst(%dma_wait3A_297 : memref<8x4096xf32, #tpu.memory_space<vmem>>)
      %mul3A_302 = arith.constant 8 : i32
      %mul3A_303 = arith.muli %add3A_260, %mul3A_302 : i32
      %add3A_304 = arith.addi %mul3A_2, %mul3A_303 : i32
      %dma_start3A_305 = arith.constant 0 : i32
      %dma_start3A_306 = arith.constant 0 : i32
      %dma_start3A_307 = arith.constant 0 : i32
      %dma_start3A_308 = tpu.memref_slice %arg6[%dma_start3A_305, %dma_start3A_306, %dma_start3A_307] : memref<3x8x4096xf32, #tpu.memory_space<vmem>> -> memref<1x8x4096xf32, #tpu.memory_space<vmem>>
      %dma_start3A_309 = tpu.memref_squeeze %dma_start3A_308 : memref<1x8x4096xf32, #tpu.memory_space<vmem>> -> memref<8x4096xf32, #tpu.memory_space<vmem>>
      %dma_start3A_310 = arith.constant 0 : i32
      %dma_start3A_311 = tpu.memref_slice %arg4[%add3A_304, %dma_start3A_310] : memref<32768x4096xf32, #tpu.memory_space<hbm>> -> memref<8x4096xf32, #tpu.memory_space<hbm>>
      %dma_start3A_312 = arith.constant 0 : i32
      %dma_start3A_313 = tpu.memref_slice %arg4[%add3A_304, %dma_start3A_312] : memref<32768x4096xf32, #tpu.memory_space<hbm>> -> memref<8x4096xf32, #tpu.memory_space<hbm>>
      %dma_start3A_314 = arith.constant 0 : i32
      %dma_start3A_315 = arith.constant 0 : i32
      %dma_start3A_316 = tpu.memref_slice %arg6[%dma_start3A_305, %dma_start3A_314, %dma_start3A_315] : memref<3x8x4096xf32, #tpu.memory_space<vmem>> -> memref<1x8x4096xf32, #tpu.memory_space<vmem>>
      %dma_start3A_317 = tpu.memref_squeeze %dma_start3A_316 : memref<1x8x4096xf32, #tpu.memory_space<vmem>> -> memref<8x4096xf32, #tpu.memory_space<vmem>>
      tpu.enqueue_dma source(%dma_start3A_317 : memref<8x4096xf32, #tpu.memory_space<vmem>>) target(%dma_start3A_313 : memref<8x4096xf32, #tpu.memory_space<hbm>>) target_semaphore(%arg10 : memref<!tpu.dma_semaphore, #tpu.memory_space<semaphore_mem>>)
      %mul3A_318 = arith.constant 3 : i32
      %mul3A_319 = arith.muli %scan3A_256, %mul3A_318 : i32
      %add3A_320 = arith.constant 1 : i32
      %add3A_321 = arith.addi %mul3A_319, %add3A_320 : i32
      %sub3A_322 = arith.constant 1 : i32
      %sub3A_323 = arith.subi %add3A_321, %sub3A_322 : i32
      %mul3A_324 = arith.constant 8 : i32
      %mul3A_325 = arith.muli %sub3A_323, %mul3A_324 : i32
      %add3A_326 = arith.addi %mul3A_2, %mul3A_325 : i32
      %dma_wait3A_327 = arith.constant 0 : i32
      %dma_wait3A_328 = arith.constant 0 : i32
      %dma_wait3A_329 = arith.constant 0 : i32
      %dma_wait3A_330 = tpu.memref_slice %arg6[%dma_wait3A_327, %dma_wait3A_328, %dma_wait3A_329] : memref<3x8x4096xf32, #tpu.memory_space<vmem>> -> memref<1x8x4096xf32, #tpu.memory_space<vmem>>
      %dma_wait3A_331 = tpu.memref_squeeze %dma_wait3A_330 : memref<1x8x4096xf32, #tpu.memory_space<vmem>> -> memref<8x4096xf32, #tpu.memory_space<vmem>>
      %dma_wait3A_332 = arith.constant 0 : i32
      %dma_wait3A_333 = tpu.memref_slice %arg4[%add3A_326, %dma_wait3A_332] : memref<32768x4096xf32, #tpu.memory_space<hbm>> -> memref<8x4096xf32, #tpu.memory_space<hbm>>
      %dma_wait3A_334 = arith.constant 0 : i32
      %dma_wait3A_335 = tpu.memref_slice %arg4[%add3A_326, %dma_wait3A_334] : memref<32768x4096xf32, #tpu.memory_space<hbm>> -> memref<8x4096xf32, #tpu.memory_space<hbm>>
      %dma_wait3A_336 = arith.constant 0 : i32
      %dma_wait3A_337 = arith.constant 0 : i32
      %dma_wait3A_338 = tpu.memref_slice %arg6[%dma_wait3A_327, %dma_wait3A_336, %dma_wait3A_337] : memref<3x8x4096xf32, #tpu.memory_space<vmem>> -> memref<1x8x4096xf32, #tpu.memory_space<vmem>>
      %dma_wait3A_339 = tpu.memref_squeeze %dma_wait3A_338 : memref<1x8x4096xf32, #tpu.memory_space<vmem>> -> memref<8x4096xf32, #tpu.memory_space<vmem>>
      tpu.wait_dma2 semaphore(%arg10 : memref<!tpu.dma_semaphore, #tpu.memory_space<semaphore_mem>>) src(%dma_wait3A_339 : memref<8x4096xf32, #tpu.memory_space<vmem>>) dst(%dma_wait3A_335 : memref<8x4096xf32, #tpu.memory_space<hbm>>)
      %add3A_340 = arith.constant 2 : i32
      %add3A_341 = arith.addi %add3A_321, %add3A_340 : i32
      %mul3A_342 = arith.constant 8 : i32
      %mul3A_343 = arith.muli %add3A_341, %mul3A_342 : i32
      %dma_start3A_344 = arith.constant 0 : i32
      %dma_start3A_345 = arith.constant 0 : i32
      %dma_start3A_346 = arith.constant 0 : i32
      %dma_start3A_347 = tpu.memref_slice %arg6[%dma_start3A_344, %dma_start3A_345, %dma_start3A_346] : memref<3x8x4096xf32, #tpu.memory_space<vmem>> -> memref<1x8x4096xf32, #tpu.memory_space<vmem>>
      %dma_start3A_348 = tpu.memref_squeeze %dma_start3A_347 : memref<1x8x4096xf32, #tpu.memory_space<vmem>> -> memref<8x4096xf32, #tpu.memory_space<vmem>>
      %dma_start3A_349 = tpu.memref_slice %arg5[%mul3A_343] : memref<1024xi32, #tpu.memory_space<vmem>> -> memref<8xi32, #tpu.memory_space<vmem>>
      %dma_start3A_350 = arith.constant 0 : i32
      %dma_start3A_351 = arith.constant 0 : i32
      %dma_start3A_352 = tpu.memref_slice %arg3[%dma_start3A_350, %dma_start3A_351] : memref<32000x4096xf32, #tpu.memory_space<hbm>> -> memref<32000x4096xf32, #tpu.memory_space<hbm>>
      tpu.enqueue_indirect_dma source(%dma_start3A_352 : memref<32000x4096xf32, #tpu.memory_space<hbm>>) target(%dma_start3A_348 : memref<8x4096xf32, #tpu.memory_space<vmem>>) offsets(%dma_start3A_349 : memref<8xi32, #tpu.memory_space<vmem>>) semaphore(%arg7 : memref<!tpu.dma_semaphore, #tpu.memory_space<semaphore_mem>>)
      %mul3A_353 = arith.constant 8 : i32
      %mul3A_354 = arith.muli %add3A_321, %mul3A_353 : i32
      %dma_wait3A_355 = arith.constant 1 : i32
      %dma_wait3A_356 = arith.constant 0 : i32
      %dma_wait3A_357 = arith.constant 0 : i32
      %dma_wait3A_358 = tpu.memref_slice %arg6[%dma_wait3A_355, %dma_wait3A_356, %dma_wait3A_357] : memref<3x8x4096xf32, #tpu.memory_space<vmem>> -> memref<1x8x4096xf32, #tpu.memory_space<vmem>>
      %dma_wait3A_359 = tpu.memref_squeeze %dma_wait3A_358 : memref<1x8x4096xf32, #tpu.memory_space<vmem>> -> memref<8x4096xf32, #tpu.memory_space<vmem>>
      %dma_wait3A_360 = tpu.memref_slice %arg5[%mul3A_354] : memref<1024xi32, #tpu.memory_space<vmem>> -> memref<8xi32, #tpu.memory_space<vmem>>
      %dma_wait3A_361 = arith.constant 0 : i32
      %dma_wait3A_362 = arith.constant 0 : i32
      %dma_wait3A_363 = tpu.memref_slice %arg3[%dma_wait3A_361, %dma_wait3A_362] : memref<32000x4096xf32, #tpu.memory_space<hbm>> -> memref<32000x4096xf32, #tpu.memory_space<hbm>>
      tpu.wait_indirect_dma semaphore(%arg8 : memref<!tpu.dma_semaphore, #tpu.memory_space<semaphore_mem>>) src(%dma_wait3A_363 : memref<32000x4096xf32, #tpu.memory_space<hbm>>) dst(%dma_wait3A_359 : memref<8x4096xf32, #tpu.memory_space<vmem>>)
      %mul3A_364 = arith.constant 8 : i32
      %mul3A_365 = arith.muli %add3A_321, %mul3A_364 : i32
      %add3A_366 = arith.addi %mul3A_2, %mul3A_365 : i32
      %dma_start3A_367 = arith.constant 1 : i32
      %dma_start3A_368 = arith.constant 0 : i32
      %dma_start3A_369 = arith.constant 0 : i32
      %dma_start3A_370 = tpu.memref_slice %arg6[%dma_start3A_367, %dma_start3A_368, %dma_start3A_369] : memref<3x8x4096xf32, #tpu.memory_space<vmem>> -> memref<1x8x4096xf32, #tpu.memory_space<vmem>>
      %dma_start3A_371 = tpu.memref_squeeze %dma_start3A_370 : memref<1x8x4096xf32, #tpu.memory_space<vmem>> -> memref<8x4096xf32, #tpu.memory_space<vmem>>
      %dma_start3A_372 = arith.constant 0 : i32
      %dma_start3A_373 = tpu.memref_slice %arg4[%add3A_366, %dma_start3A_372] : memref<32768x4096xf32, #tpu.memory_space<hbm>> -> memref<8x4096xf32, #tpu.memory_space<hbm>>
      %dma_start3A_374 = arith.constant 0 : i32
      %dma_start3A_375 = tpu.memref_slice %arg4[%add3A_366, %dma_start3A_374] : memref<32768x4096xf32, #tpu.memory_space<hbm>> -> memref<8x4096xf32, #tpu.memory_space<hbm>>
      %dma_start3A_376 = arith.constant 0 : i32
      %dma_start3A_377 = arith.constant 0 : i32
      %dma_start3A_378 = tpu.memref_slice %arg6[%dma_start3A_367, %dma_start3A_376, %dma_start3A_377] : memref<3x8x4096xf32, #tpu.memory_space<vmem>> -> memref<1x8x4096xf32, #tpu.memory_space<vmem>>
      %dma_start3A_379 = tpu.memref_squeeze %dma_start3A_378 : memref<1x8x4096xf32, #tpu.memory_space<vmem>> -> memref<8x4096xf32, #tpu.memory_space<vmem>>
      tpu.enqueue_dma source(%dma_start3A_379 : memref<8x4096xf32, #tpu.memory_space<vmem>>) target(%dma_start3A_375 : memref<8x4096xf32, #tpu.memory_space<hbm>>) target_semaphore(%arg11 : memref<!tpu.dma_semaphore, #tpu.memory_space<semaphore_mem>>)
      %mul3A_380 = arith.constant 3 : i32
      %mul3A_381 = arith.muli %scan3A_256, %mul3A_380 : i32
      %add3A_382 = arith.constant 2 : i32
      %add3A_383 = arith.addi %mul3A_381, %add3A_382 : i32
      %sub3A_384 = arith.constant 1 : i32
      %sub3A_385 = arith.subi %add3A_383, %sub3A_384 : i32
      %mul3A_386 = arith.constant 8 : i32
      %mul3A_387 = arith.muli %sub3A_385, %mul3A_386 : i32
      %add3A_388 = arith.addi %mul3A_2, %mul3A_387 : i32
      %dma_wait3A_389 = arith.constant 1 : i32
      %dma_wait3A_390 = arith.constant 0 : i32
      %dma_wait3A_391 = arith.constant 0 : i32
      %dma_wait3A_392 = tpu.memref_slice %arg6[%dma_wait3A_389, %dma_wait3A_390, %dma_wait3A_391] : memref<3x8x4096xf32, #tpu.memory_space<vmem>> -> memref<1x8x4096xf32, #tpu.memory_space<vmem>>
      %dma_wait3A_393 = tpu.memref_squeeze %dma_wait3A_392 : memref<1x8x4096xf32, #tpu.memory_space<vmem>> -> memref<8x4096xf32, #tpu.memory_space<vmem>>
      %dma_wait3A_394 = arith.constant 0 : i32
      %dma_wait3A_395 = tpu.memref_slice %arg4[%add3A_388, %dma_wait3A_394] : memref<32768x4096xf32, #tpu.memory_space<hbm>> -> memref<8x4096xf32, #tpu.memory_space<hbm>>
      %dma_wait3A_396 = arith.constant 0 : i32
      %dma_wait3A_397 = tpu.memref_slice %arg4[%add3A_388, %dma_wait3A_396] : memref<32768x4096xf32, #tpu.memory_space<hbm>> -> memref<8x4096xf32, #tpu.memory_space<hbm>>
      %dma_wait3A_398 = arith.constant 0 : i32
      %dma_wait3A_399 = arith.constant 0 : i32
      %dma_wait3A_400 = tpu.memref_slice %arg6[%dma_wait3A_389, %dma_wait3A_398, %dma_wait3A_399] : memref<3x8x4096xf32, #tpu.memory_space<vmem>> -> memref<1x8x4096xf32, #tpu.memory_space<vmem>>
      %dma_wait3A_401 = tpu.memref_squeeze %dma_wait3A_400 : memref<1x8x4096xf32, #tpu.memory_space<vmem>> -> memref<8x4096xf32, #tpu.memory_space<vmem>>
      tpu.wait_dma2 semaphore(%arg11 : memref<!tpu.dma_semaphore, #tpu.memory_space<semaphore_mem>>) src(%dma_wait3A_401 : memref<8x4096xf32, #tpu.memory_space<vmem>>) dst(%dma_wait3A_397 : memref<8x4096xf32, #tpu.memory_space<hbm>>)
      %add3A_402 = arith.constant 2 : i32
      %add3A_403 = arith.addi %add3A_383, %add3A_402 : i32
      %mul3A_404 = arith.constant 8 : i32
      %mul3A_405 = arith.muli %add3A_403, %mul3A_404 : i32
      %dma_start3A_406 = arith.constant 1 : i32
      %dma_start3A_407 = arith.constant 0 : i32
      %dma_start3A_408 = arith.constant 0 : i32
      %dma_start3A_409 = tpu.memref_slice %arg6[%dma_start3A_406, %dma_start3A_407, %dma_start3A_408] : memref<3x8x4096xf32, #tpu.memory_space<vmem>> -> memref<1x8x4096xf32, #tpu.memory_space<vmem>>
      %dma_start3A_410 = tpu.memref_squeeze %dma_start3A_409 : memref<1x8x4096xf32, #tpu.memory_space<vmem>> -> memref<8x4096xf32, #tpu.memory_space<vmem>>
      %dma_start3A_411 = tpu.memref_slice %arg5[%mul3A_405] : memref<1024xi32, #tpu.memory_space<vmem>> -> memref<8xi32, #tpu.memory_space<vmem>>
      %dma_start3A_412 = arith.constant 0 : i32
      %dma_start3A_413 = arith.constant 0 : i32
      %dma_start3A_414 = tpu.memref_slice %arg3[%dma_start3A_412, %dma_start3A_413] : memref<32000x4096xf32, #tpu.memory_space<hbm>> -> memref<32000x4096xf32, #tpu.memory_space<hbm>>
      tpu.enqueue_indirect_dma source(%dma_start3A_414 : memref<32000x4096xf32, #tpu.memory_space<hbm>>) target(%dma_start3A_410 : memref<8x4096xf32, #tpu.memory_space<vmem>>) offsets(%dma_start3A_411 : memref<8xi32, #tpu.memory_space<vmem>>) semaphore(%arg8 : memref<!tpu.dma_semaphore, #tpu.memory_space<semaphore_mem>>)
      %mul3A_415 = arith.constant 8 : i32
      %mul3A_416 = arith.muli %add3A_383, %mul3A_415 : i32
      %dma_wait3A_417 = arith.constant 2 : i32
      %dma_wait3A_418 = arith.constant 0 : i32
      %dma_wait3A_419 = arith.constant 0 : i32
      %dma_wait3A_420 = tpu.memref_slice %arg6[%dma_wait3A_417, %dma_wait3A_418, %dma_wait3A_419] : memref<3x8x4096xf32, #tpu.memory_space<vmem>> -> memref<1x8x4096xf32, #tpu.memory_space<vmem>>
      %dma_wait3A_421 = tpu.memref_squeeze %dma_wait3A_420 : memref<1x8x4096xf32, #tpu.memory_space<vmem>> -> memref<8x4096xf32, #tpu.memory_space<vmem>>
      %dma_wait3A_422 = tpu.memref_slice %arg5[%mul3A_416] : memref<1024xi32, #tpu.memory_space<vmem>> -> memref<8xi32, #tpu.memory_space<vmem>>
      %dma_wait3A_423 = arith.constant 0 : i32
      %dma_wait3A_424 = arith.constant 0 : i32
      %dma_wait3A_425 = tpu.memref_slice %arg3[%dma_wait3A_423, %dma_wait3A_424] : memref<32000x4096xf32, #tpu.memory_space<hbm>> -> memref<32000x4096xf32, #tpu.memory_space<hbm>>
      tpu.wait_indirect_dma semaphore(%arg9 : memref<!tpu.dma_semaphore, #tpu.memory_space<semaphore_mem>>) src(%dma_wait3A_425 : memref<32000x4096xf32, #tpu.memory_space<hbm>>) dst(%dma_wait3A_421 : memref<8x4096xf32, #tpu.memory_space<vmem>>)
      %mul3A_426 = arith.constant 8 : i32
      %mul3A_427 = arith.muli %add3A_383, %mul3A_426 : i32
      %add3A_428 = arith.addi %mul3A_2, %mul3A_427 : i32
      %dma_start3A_429 = arith.constant 2 : i32
      %dma_start3A_430 = arith.constant 0 : i32
      %dma_start3A_431 = arith.constant 0 : i32
      %dma_start3A_432 = tpu.memref_slice %arg6[%dma_start3A_429, %dma_start3A_430, %dma_start3A_431] : memref<3x8x4096xf32, #tpu.memory_space<vmem>> -> memref<1x8x4096xf32, #tpu.memory_space<vmem>>
      %dma_start3A_433 = tpu.memref_squeeze %dma_start3A_432 : memref<1x8x4096xf32, #tpu.memory_space<vmem>> -> memref<8x4096xf32, #tpu.memory_space<vmem>>
      %dma_start3A_434 = arith.constant 0 : i32
      %dma_start3A_435 = tpu.memref_slice %arg4[%add3A_428, %dma_start3A_434] : memref<32768x4096xf32, #tpu.memory_space<hbm>> -> memref<8x4096xf32, #tpu.memory_space<hbm>>
      %dma_start3A_436 = arith.constant 0 : i32
      %dma_start3A_437 = tpu.memref_slice %arg4[%add3A_428, %dma_start3A_436] : memref<32768x4096xf32, #tpu.memory_space<hbm>> -> memref<8x4096xf32, #tpu.memory_space<hbm>>
      %dma_start3A_438 = arith.constant 0 : i32
      %dma_start3A_439 = arith.constant 0 : i32
      %dma_start3A_440 = tpu.memref_slice %arg6[%dma_start3A_429, %dma_start3A_438, %dma_start3A_439] : memref<3x8x4096xf32, #tpu.memory_space<vmem>> -> memref<1x8x4096xf32, #tpu.memory_space<vmem>>
      %dma_start3A_441 = tpu.memref_squeeze %dma_start3A_440 : memref<1x8x4096xf32, #tpu.memory_space<vmem>> -> memref<8x4096xf32, #tpu.memory_space<vmem>>
      tpu.enqueue_dma source(%dma_start3A_441 : memref<8x4096xf32, #tpu.memory_space<vmem>>) target(%dma_start3A_437 : memref<8x4096xf32, #tpu.memory_space<hbm>>) target_semaphore(%arg12 : memref<!tpu.dma_semaphore, #tpu.memory_space<semaphore_mem>>)
    }
    %scan3A_160 = arith.constant 41 : i32
    %add3A_161 = arith.constant 1000 : i32
    %add3A_162 = arith.addi %mul3A_2, %add3A_161 : i32
    %dma_wait3A_163 = arith.constant 2 : i32
    %dma_wait3A_164 = arith.constant 0 : i32
    %dma_wait3A_165 = arith.constant 0 : i32
    %dma_wait3A_166 = tpu.memref_slice %arg6[%dma_wait3A_163, %dma_wait3A_164, %dma_wait3A_165] : memref<3x8x4096xf32, #tpu.memory_space<vmem>> -> memref<1x8x4096xf32, #tpu.memory_space<vmem>>
    %dma_wait3A_167 = tpu.memref_squeeze %dma_wait3A_166 : memref<1x8x4096xf32, #tpu.memory_space<vmem>> -> memref<8x4096xf32, #tpu.memory_space<vmem>>
    %dma_wait3A_168 = arith.constant 0 : i32
    %dma_wait3A_169 = tpu.memref_slice %arg4[%add3A_162, %dma_wait3A_168] : memref<32768x4096xf32, #tpu.memory_space<hbm>> -> memref<8x4096xf32, #tpu.memory_space<hbm>>
    %dma_wait3A_170 = arith.constant 0 : i32
    %dma_wait3A_171 = tpu.memref_slice %arg4[%add3A_162, %dma_wait3A_170] : memref<32768x4096xf32, #tpu.memory_space<hbm>> -> memref<8x4096xf32, #tpu.memory_space<hbm>>
    %dma_wait3A_172 = arith.constant 0 : i32
    %dma_wait3A_173 = arith.constant 0 : i32
    %dma_wait3A_174 = tpu.memref_slice %arg6[%dma_wait3A_163, %dma_wait3A_172, %dma_wait3A_173] : memref<3x8x4096xf32, #tpu.memory_space<vmem>> -> memref<1x8x4096xf32, #tpu.memory_space<vmem>>
    %dma_wait3A_175 = tpu.memref_squeeze %dma_wait3A_174 : memref<1x8x4096xf32, #tpu.memory_space<vmem>> -> memref<8x4096xf32, #tpu.memory_space<vmem>>
    tpu.wait_dma2 semaphore(%arg12 : memref<!tpu.dma_semaphore, #tpu.memory_space<semaphore_mem>>) src(%dma_wait3A_175 : memref<8x4096xf32, #tpu.memory_space<vmem>>) dst(%dma_wait3A_171 : memref<8x4096xf32, #tpu.memory_space<hbm>>)
    %dma_wait3A_176 = arith.constant 0 : i32
    %dma_wait3A_177 = arith.constant 0 : i32
    %dma_wait3A_178 = arith.constant 0 : i32
    %dma_wait3A_179 = tpu.memref_slice %arg6[%dma_wait3A_176, %dma_wait3A_177, %dma_wait3A_178] : memref<3x8x4096xf32, #tpu.memory_space<vmem>> -> memref<1x8x4096xf32, #tpu.memory_space<vmem>>
    %dma_wait3A_180 = tpu.memref_squeeze %dma_wait3A_179 : memref<1x8x4096xf32, #tpu.memory_space<vmem>> -> memref<8x4096xf32, #tpu.memory_space<vmem>>
    %dma_wait3A_181 = arith.constant 1008 : i32
    %dma_wait3A_182 = tpu.memref_slice %arg5[%dma_wait3A_181] : memref<1024xi32, #tpu.memory_space<vmem>> -> memref<8xi32, #tpu.memory_space<vmem>>
    %dma_wait3A_183 = arith.constant 0 : i32
    %dma_wait3A_184 = arith.constant 0 : i32
    %dma_wait3A_185 = tpu.memref_slice %arg3[%dma_wait3A_183, %dma_wait3A_184] : memref<32000x4096xf32, #tpu.memory_space<hbm>> -> memref<32000x4096xf32, #tpu.memory_space<hbm>>
    tpu.wait_indirect_dma semaphore(%arg7 : memref<!tpu.dma_semaphore, #tpu.memory_space<semaphore_mem>>) src(%dma_wait3A_185 : memref<32000x4096xf32, #tpu.memory_space<hbm>>) dst(%dma_wait3A_180 : memref<8x4096xf32, #tpu.memory_space<vmem>>)
    %add3A_186 = arith.constant 1008 : i32
    %add3A_187 = arith.addi %mul3A_2, %add3A_186 : i32
    %dma_start3A_188 = arith.constant 0 : i32
    %dma_start3A_189 = arith.constant 0 : i32
    %dma_start3A_190 = arith.constant 0 : i32
    %dma_start3A_191 = tpu.memref_slice %arg6[%dma_start3A_188, %dma_start3A_189, %dma_start3A_190] : memref<3x8x4096xf32, #tpu.memory_space<vmem>> -> memref<1x8x4096xf32, #tpu.memory_space<vmem>>
    %dma_start3A_192 = tpu.memref_squeeze %dma_start3A_191 : memref<1x8x4096xf32, #tpu.memory_space<vmem>> -> memref<8x4096xf32, #tpu.memory_space<vmem>>
    %dma_start3A_193 = arith.constant 0 : i32
    %dma_start3A_194 = tpu.memref_slice %arg4[%add3A_187, %dma_start3A_193] : memref<32768x4096xf32, #tpu.memory_space<hbm>> -> memref<8x4096xf32, #tpu.memory_space<hbm>>
    %dma_start3A_195 = arith.constant 0 : i32
    %dma_start3A_196 = tpu.memref_slice %arg4[%add3A_187, %dma_start3A_195] : memref<32768x4096xf32, #tpu.memory_space<hbm>> -> memref<8x4096xf32, #tpu.memory_space<hbm>>
    %dma_start3A_197 = arith.constant 0 : i32
    %dma_start3A_198 = arith.constant 0 : i32
    %dma_start3A_199 = tpu.memref_slice %arg6[%dma_start3A_188, %dma_start3A_197, %dma_start3A_198] : memref<3x8x4096xf32, #tpu.memory_space<vmem>> -> memref<1x8x4096xf32, #tpu.memory_space<vmem>>
    %dma_start3A_200 = tpu.memref_squeeze %dma_start3A_199 : memref<1x8x4096xf32, #tpu.memory_space<vmem>> -> memref<8x4096xf32, #tpu.memory_space<vmem>>
    tpu.enqueue_dma source(%dma_start3A_200 : memref<8x4096xf32, #tpu.memory_space<vmem>>) target(%dma_start3A_196 : memref<8x4096xf32, #tpu.memory_space<hbm>>) target_semaphore(%arg10 : memref<!tpu.dma_semaphore, #tpu.memory_space<semaphore_mem>>)
    %add3A_201 = arith.constant 1008 : i32
    %add3A_202 = arith.addi %mul3A_2, %add3A_201 : i32
    %dma_wait3A_203 = arith.constant 0 : i32
    %dma_wait3A_204 = arith.constant 0 : i32
    %dma_wait3A_205 = arith.constant 0 : i32
    %dma_wait3A_206 = tpu.memref_slice %arg6[%dma_wait3A_203, %dma_wait3A_204, %dma_wait3A_205] : memref<3x8x4096xf32, #tpu.memory_space<vmem>> -> memref<1x8x4096xf32, #tpu.memory_space<vmem>>
    %dma_wait3A_207 = tpu.memref_squeeze %dma_wait3A_206 : memref<1x8x4096xf32, #tpu.memory_space<vmem>> -> memref<8x4096xf32, #tpu.memory_space<vmem>>
    %dma_wait3A_208 = arith.constant 0 : i32
    %dma_wait3A_209 = tpu.memref_slice %arg4[%add3A_202, %dma_wait3A_208] : memref<32768x4096xf32, #tpu.memory_space<hbm>> -> memref<8x4096xf32, #tpu.memory_space<hbm>>
    %dma_wait3A_210 = arith.constant 0 : i32
    %dma_wait3A_211 = tpu.memref_slice %arg4[%add3A_202, %dma_wait3A_210] : memref<32768x4096xf32, #tpu.memory_space<hbm>> -> memref<8x4096xf32, #tpu.memory_space<hbm>>
    %dma_wait3A_212 = arith.constant 0 : i32
    %dma_wait3A_213 = arith.constant 0 : i32
    %dma_wait3A_214 = tpu.memref_slice %arg6[%dma_wait3A_203, %dma_wait3A_212, %dma_wait3A_213] : memref<3x8x4096xf32, #tpu.memory_space<vmem>> -> memref<1x8x4096xf32, #tpu.memory_space<vmem>>
    %dma_wait3A_215 = tpu.memref_squeeze %dma_wait3A_214 : memref<1x8x4096xf32, #tpu.memory_space<vmem>> -> memref<8x4096xf32, #tpu.memory_space<vmem>>
    tpu.wait_dma2 semaphore(%arg10 : memref<!tpu.dma_semaphore, #tpu.memory_space<semaphore_mem>>) src(%dma_wait3A_215 : memref<8x4096xf32, #tpu.memory_space<vmem>>) dst(%dma_wait3A_211 : memref<8x4096xf32, #tpu.memory_space<hbm>>)
    %dma_wait3A_216 = arith.constant 1 : i32
    %dma_wait3A_217 = arith.constant 0 : i32
    %dma_wait3A_218 = arith.constant 0 : i32
    %dma_wait3A_219 = tpu.memref_slice %arg6[%dma_wait3A_216, %dma_wait3A_217, %dma_wait3A_218] : memref<3x8x4096xf32, #tpu.memory_space<vmem>> -> memref<1x8x4096xf32, #tpu.memory_space<vmem>>
    %dma_wait3A_220 = tpu.memref_squeeze %dma_wait3A_219 : memref<1x8x4096xf32, #tpu.memory_space<vmem>> -> memref<8x4096xf32, #tpu.memory_space<vmem>>
    %dma_wait3A_221 = arith.constant 1016 : i32
    %dma_wait3A_222 = tpu.memref_slice %arg5[%dma_wait3A_221] : memref<1024xi32, #tpu.memory_space<vmem>> -> memref<8xi32, #tpu.memory_space<vmem>>
    %dma_wait3A_223 = arith.constant 0 : i32
    %dma_wait3A_224 = arith.constant 0 : i32
    %dma_wait3A_225 = tpu.memref_slice %arg3[%dma_wait3A_223, %dma_wait3A_224] : memref<32000x4096xf32, #tpu.memory_space<hbm>> -> memref<32000x4096xf32, #tpu.memory_space<hbm>>
    tpu.wait_indirect_dma semaphore(%arg8 : memref<!tpu.dma_semaphore, #tpu.memory_space<semaphore_mem>>) src(%dma_wait3A_225 : memref<32000x4096xf32, #tpu.memory_space<hbm>>) dst(%dma_wait3A_220 : memref<8x4096xf32, #tpu.memory_space<vmem>>)
    %add3A_226 = arith.constant 1016 : i32
    %add3A_227 = arith.addi %mul3A_2, %add3A_226 : i32
    %dma_start3A_228 = arith.constant 1 : i32
    %dma_start3A_229 = arith.constant 0 : i32
    %dma_start3A_230 = arith.constant 0 : i32
    %dma_start3A_231 = tpu.memref_slice %arg6[%dma_start3A_228, %dma_start3A_229, %dma_start3A_230] : memref<3x8x4096xf32, #tpu.memory_space<vmem>> -> memref<1x8x4096xf32, #tpu.memory_space<vmem>>
    %dma_start3A_232 = tpu.memref_squeeze %dma_start3A_231 : memref<1x8x4096xf32, #tpu.memory_space<vmem>> -> memref<8x4096xf32, #tpu.memory_space<vmem>>
    %dma_start3A_233 = arith.constant 0 : i32
    %dma_start3A_234 = tpu.memref_slice %arg4[%add3A_227, %dma_start3A_233] : memref<32768x4096xf32, #tpu.memory_space<hbm>> -> memref<8x4096xf32, #tpu.memory_space<hbm>>
    %dma_start3A_235 = arith.constant 0 : i32
    %dma_start3A_236 = tpu.memref_slice %arg4[%add3A_227, %dma_start3A_235] : memref<32768x4096xf32, #tpu.memory_space<hbm>> -> memref<8x4096xf32, #tpu.memory_space<hbm>>
    %dma_start3A_237 = arith.constant 0 : i32
    %dma_start3A_238 = arith.constant 0 : i32
    %dma_start3A_239 = tpu.memref_slice %arg6[%dma_start3A_228, %dma_start3A_237, %dma_start3A_238] : memref<3x8x4096xf32, #tpu.memory_space<vmem>> -> memref<1x8x4096xf32, #tpu.memory_space<vmem>>
    %dma_start3A_240 = tpu.memref_squeeze %dma_start3A_239 : memref<1x8x4096xf32, #tpu.memory_space<vmem>> -> memref<8x4096xf32, #tpu.memory_space<vmem>>
    tpu.enqueue_dma source(%dma_start3A_240 : memref<8x4096xf32, #tpu.memory_space<vmem>>) target(%dma_start3A_236 : memref<8x4096xf32, #tpu.memory_space<hbm>>) target_semaphore(%arg11 : memref<!tpu.dma_semaphore, #tpu.memory_space<semaphore_mem>>)
    %add3A_241 = arith.constant 1016 : i32
    %add3A_242 = arith.addi %mul3A_2, %add3A_241 : i32
    %dma_wait3A_243 = arith.constant 1 : i32
    %dma_wait3A_244 = arith.constant 0 : i32
    %dma_wait3A_245 = arith.constant 0 : i32
    %dma_wait3A_246 = tpu.memref_slice %arg6[%dma_wait3A_243, %dma_wait3A_244, %dma_wait3A_245] : memref<3x8x4096xf32, #tpu.memory_space<vmem>> -> memref<1x8x4096xf32, #tpu.memory_space<vmem>>
    %dma_wait3A_247 = tpu.memref_squeeze %dma_wait3A_246 : memref<1x8x4096xf32, #tpu.memory_space<vmem>> -> memref<8x4096xf32, #tpu.memory_space<vmem>>
    %dma_wait3A_248 = arith.constant 0 : i32
    %dma_wait3A_249 = tpu.memref_slice %arg4[%add3A_242, %dma_wait3A_248] : memref<32768x4096xf32, #tpu.memory_space<hbm>> -> memref<8x4096xf32, #tpu.memory_space<hbm>>
    %dma_wait3A_250 = arith.constant 0 : i32
    %dma_wait3A_251 = tpu.memref_slice %arg4[%add3A_242, %dma_wait3A_250] : memref<32768x4096xf32, #tpu.memory_space<hbm>> -> memref<8x4096xf32, #tpu.memory_space<hbm>>
    %dma_wait3A_252 = arith.constant 0 : i32
    %dma_wait3A_253 = arith.constant 0 : i32
    %dma_wait3A_254 = tpu.memref_slice %arg6[%dma_wait3A_243, %dma_wait3A_252, %dma_wait3A_253] : memref<3x8x4096xf32, #tpu.memory_space<vmem>> -> memref<1x8x4096xf32, #tpu.memory_space<vmem>>
    %dma_wait3A_255 = tpu.memref_squeeze %dma_wait3A_254 : memref<1x8x4096xf32, #tpu.memory_space<vmem>> -> memref<8x4096xf32, #tpu.memory_space<vmem>>
    tpu.wait_dma2 semaphore(%arg11 : memref<!tpu.dma_semaphore, #tpu.memory_space<semaphore_mem>>) src(%dma_wait3A_255 : memref<8x4096xf32, #tpu.memory_space<vmem>>) dst(%dma_wait3A_251 : memref<8x4096xf32, #tpu.memory_space<hbm>>)
    return
  }
}

</mosaic_0001>

<sc_bundles>
// kernel: kernel.3.cloned.1.call-start
scs
__scs_entry_jumppad:
0x0: {  	(pc) =	sbr.rel $0x88, $3  }
0x1: {  	(tag) =	ssettag $0x0;
	lr =	simm.s32 $0x1  }
0x2: {  	[smem:$0x3F9F] =	sst lr;
	_ =	strace $0xD0000000  }
0x3: {  	_ = 	snop  }
0x4: {  	_ = 	snop  }
0x5: {  	_ = 	snop  }
0x6: {  	_ = 	snop  }
0x7: {  	_ = 	snop  }
__scs_overlays_trampoline_lowered:
0x8: {  	[smem:$0x3FAE] =	sst s0  }
0x9: {  	[smem:$0x3FAF] =	sst s1  }
0xa: {  	[smem:$0x3FB0] =	sst s2  }
0xb: {  	[smem:$0x3FB1] =	sst s3  }
0xc: {  	[smem:$0x3FB2] =	sst s4  }
0xd: {  	[smem:$0x3FB3] =	sst s5  }
0xe: {  	[smem:$0x3FB4] =	sst s6  }
0xf: {  	[smem:$0x3FB5] =	sst s7  }
0x10: {  	[smem:$0x3FB6] =	sst s8  }
0x11: {  	[smem:$0x3FB7] =	sst s9;
	s0 =	simm.s32 @!p0 $0x0  }
0x12: {  	s1 =	sld [smem:$0x3F9D];
	s0 =	simm.s32 @p0 $0x1  }
0x13: {  	[smem:$0x3FB8] =	sst s0;
	s0 =	simm.s32 @!p1 $0x0  }
0x14: {  	s2 =	sld [smem:$0x3F9C];
	s0 =	simm.s32 @p1 $0x1  }
0x15: {  	[smem:$0x3FB9] =	sst s0;
	s0 =	simm.s32 @!p2 $0x0  }
0x16: {  	s3 =	sld [smem:$0x3FDB];
	s0 =	simm.s32 @p2 $0x1  }
0x17: {  	s4 =	simm.s32 $0x1BF5;
	[smem:$0x3FBB] =	sst s0  }
0x18: {  	s0 =	sld [smem:$0x3F9E];
	_ =	swait.ge [sflag:s4], $0x0  }
0x19: {  	s7 =	sld [smem:$0x3F9F]  }
0x1a: {  	s8 =	sadd.s32 $0xFFFFE003, lr  }
0x1b: {  	s9 =	sadd.s32 $0xFFFFFEF7, lr;
	s5 =	simm.s32 $0xFFFFFFFF;
	p2 =	slt.u32 s8, $0xFFFFF086  }
0x1c: {  	p1 =	slt.u32 s9, $0xF7A;
	s5 =	simm.s32 @!p2 $0x0  }
0x1d: {  	s5 =	simm.s32 @p1 $0x1;
	p0 =	seq.s32 s7, s2  }
0x1e: {  	s7 =	smul.u32 @!p0 $0xF7A, s2;
	p2 =	seq.s32 @!p0 s5, $0x0  }
0x1f: {  	s9 =	smul.u32 $0xF7A, s1;
	s8 =	simm.s32 @!p0 $0x1BF5;
	p2 =	por !p2, p0  }
0x20: {  	[sflag:s8] =	ssyncset.s32 @!p0 $0xFFFFF086;
	s6 =	sadd.s32 @!p0 s3, s7;
	s7 =	simm.s32 @!p0 $0x108  }
0x21: {  	s3 =	sadd.s32 s3, s9;
	s6 =	sadd.s32 @!p0 $0x88, s6;
	s7 =	simm.s32 @p2 $0x1082  }
0x22: {  	[simem:s7], [sflag:s8] =	dma.local @!p0 [hbm:s6], $0xF7A  }
0x23: {  	s9 =	sor.u32 $0xD0000000, s2;
	s6 =	simm.s32 $0x108;
	_ =	swait.ge @!p0 [sflag:s8], $0x0  }
0x24: {  	s3 =	sadd.s32 $0x88, s3;
	s6 =	simm.s32 @!p1 $0x1082;
	[sflag:s4] =	ssyncset.s32 $0xFFFFF086  }
0x25: {  	[simem:s6], [sflag:s4] =	dma.local [hbm:s3], $0xF7A  }
0x26: {  	[smem:$0x3F9F] =	sst s1;
	(tag) =	ssettag s2;
	_ =	strace s9  }
0x27: {  	s1 =	sld [smem:$0x3FAF]  }
0x28: {  	s2 =	sld [smem:$0x3FB0]  }
0x29: {  	s4 =	sld [smem:$0x3FB2]  }
0x2a: {  	p0 =	seq.s32 s5, $0x0;
	s5 =	sld [smem:$0x3FB3]  }
0x2b: {  	s6 =	sld [smem:$0x3FB4]  }
0x2c: {  	s7 =	sld [smem:$0x3FB5]  }
0x2d: {  	s3 =	simm.s32 $0x108;
	s8 =	sld [smem:$0x3FB6]  }
0x2e: {  	s3 =	simm.s32 @!p0 $0x1082;
	s9 =	sld [smem:$0x3FB7]  }
0x2f: {  	lr =	sadd.s32 s0, s3;
	s0 =	sld [smem:$0x3FAE]  }
0x30: {  	s3 =	sld [smem:$0x3FB1]  }
0x31: {  	[smem:$0x3FBA] =	sst s10  }
0x32: {  	s10 =	sld [smem:$0x3FB8];
	_ =	sdelay $0x3  }
0x33: {  	p0 =	seq.s32 s10, $0x1;
	s10 =	sld [smem:$0x3FBA];
	_ =	sdelay $0x3  }
0x34: {  	[smem:$0x3FBA] =	sst s10  }
0x35: {  	s10 =	sld [smem:$0x3FB9];
	_ =	sdelay $0x3  }
0x36: {  	p1 =	seq.s32 s10, $0x1;
	s10 =	sld [smem:$0x3FBA];
	_ =	sdelay $0x3  }
0x37: {  	[smem:$0x3FBA] =	sst s10  }
0x38: {  	s10 =	sld [smem:$0x3FBB]  }
0x39: {  	_ = 	snop;
	(pc) =	sbr.ind lr, $3  }
0x3a: {  	_ = 	snop  }
0x3b: {  	_ = 	snop  }
0x3c: {  	p2 =	seq.s32 s10, $0x1;
	s10 =	sld [smem:$0x3FBA]  }
0x3d: {  	_ =	shalt  }
0x3e: {  	_ =	shalt  }
0x3f: {  	_ =	shalt  }
0x40: {  	_ =	shalt  }
0x41: {  	_ =	shalt  }
0x42: {  	_ =	shalt  }
0x43: {  	_ =	shalt  }
0x44: {  	_ =	shalt  }
0x45: {  	_ =	shalt  }
0x46: {  	_ =	shalt  }
0x47: {  	_ =	shalt  }
0x48: {  	_ =	shalt  }
0x49: {  	_ =	shalt  }
0x4a: {  	_ =	shalt  }
0x4b: {  	_ =	shalt  }
0x4c: {  	_ =	shalt  }
0x4d: {  	_ =	shalt  }
0x4e: {  	_ =	shalt  }
0x4f: {  	_ =	shalt  }
0x50: {  	_ =	shalt  }
0x51: {  	_ =	shalt  }
0x52: {  	_ =	shalt  }
0x53: {  	_ =	shalt  }
0x54: {  	_ =	shalt  }
0x55: {  	_ =	shalt  }
0x56: {  	_ =	shalt  }
0x57: {  	_ =	shalt  }
0x58: {  	_ =	shalt  }
0x59: {  	_ =	shalt  }
0x5a: {  	_ =	shalt  }
0x5b: {  	_ =	shalt  }
0x5c: {  	_ =	shalt  }
0x5d: {  	_ =	shalt  }
0x5e: {  	_ =	shalt  }
0x5f: {  	_ =	shalt  }
0x60: {  	_ =	shalt  }
0x61: {  	_ =	shalt  }
0x62: {  	_ =	shalt  }
0x63: {  	_ =	shalt  }
0x64: {  	_ =	shalt  }
0x65: {  	_ =	shalt  }
0x66: {  	_ =	shalt  }
0x67: {  	_ =	shalt  }
0x68: {  	_ =	shalt  }
0x69: {  	_ =	shalt  }
0x6a: {  	_ =	shalt  }
0x6b: {  	_ =	shalt  }
0x6c: {  	_ =	shalt  }
0x6d: {  	_ =	shalt  }
0x6e: {  	_ =	shalt  }
0x6f: {  	_ =	shalt  }
0x70: {  	_ =	shalt  }
0x71: {  	_ =	shalt  }
0x72: {  	_ =	shalt  }
0x73: {  	_ =	shalt  }
0x74: {  	_ =	shalt  }
0x75: {  	_ =	shalt  }
0x76: {  	_ =	shalt  }
0x77: {  	_ =	shalt  }
0x78: {  	_ =	shalt  }
0x79: {  	_ =	shalt  }
0x7a: {  	_ =	shalt  }
0x7b: {  	_ =	shalt  }
0x7c: {  	_ =	shalt  }
0x7d: {  	_ =	shalt  }
0x7e: {  	_ =	shalt  }
0x7f: {  	_ =	shalt  }
0x80: {  	_ =	shalt  }
0x81: {  	_ =	shalt  }
0x82: {  	_ =	shalt  }
0x83: {  	_ =	shalt  }
0x84: {  	_ =	shalt  }
0x85: {  	_ =	shalt  }
0x86: {  	_ =	shalt  }
0x87: {  	_ =	shalt  }
.Lfunc_end0:
.L_simem_size_0:
called_computation_lowered:
.L_overlay_start_0:
0x88: {  	s2 =	sld [smem:$0x3FD9]  }
0x89: {  	s3 =	sld [smem:$0x3FFE];
	_ =	sdelay $0x1  }
0x8a: {  	s1 =	srdreg.scid  }
0x8b: {  	s0 =	sand.u32 $0x1, s1  }
0x8c: {  	s17 =	sshll.u32 s0, $0xA;
	s2 =	sadd.s32 s3, s2  }
0x8d: {  	s2 =	sadd.s32 s2, s17  }
0x8e: {  	[smem:$0x3FC6] =	sst s2  }
0x8f: {  	_ = 	snop  }
0x90: {  	s2 =	sld [smem:$0x3FC8]  }
0x91: {  	s18 =	sld [smem:$0x3FD0];
	(tm) =	ssettm $0x1  }
0x92: {  	s4 =	sld [smem:$0x3FFB];
	_ =	sdelay $0x3  }
0x93: {  	_ =	strace s4  }
0x94: {  	s4 =	sld [smem:$0x3FFC];
	_ =	sdelay $0x3  }
0x95: {  	_ =	strace s4  }
0x96: {  	s4 =	sld [smem:$0x3FFD];
	_ =	sdelay $0x3  }
0x97: {  	_ =	strace s4  }
0x98: {  	_ =	strace $0x8FFFFFFF  }
0x99: {  	s19 =	sld [smem:$0x3FDB];
	_ =	sdelay $0x1  }
0x9a: {  	s5 =	simm.s32 $_scs_section_size  }
0x9b: {  	s6 =	simm.s32 $_size__tile_overlayer_lowered;
	s7 =	simm.s32 $_tile_overlayer_lowered  }
0x9c: {  	s22 =	simm.s32 $0x1BFF;
	s21 =	sshll.u32 s7, $0x1;
	s4 =	sadd.s32 s5, s19  }
0x9d: {  	s8 =	simm.s32 $0x0;
	s20 =	sshll.u32 s6, $0x1;
	s6 =	sadd.s32 s21, s4  }
0x9e: {  	[timem:s8], [sflag:s22] =	dma.local [hbm:s6], s20  }
0x9f: {  	_ =	swait.ge [sflag:s22], s20  }
0xa0: {  	s5 =	ssub.s32 $0x0, s20;
	[sflag:s22] =	ssyncset.done $0x0  }
0xa1: {  	[sflag:s22] =	ssyncadd.s32 s5;
	_ =	sdelay $0x1  }
0xa2: {  	s23 =	simm.s32 $0x1B8B  }
0xa3: {  	_ =	swait.ge [sflag:s23], $0x1  }
0xa4: {  	[sflag:s23] =	ssyncset.done $0x0  }
0xa5: {  	s25 =	simm.s32 $0x1B8E;
	s24 =	sld [smem:$0x3FFE];
	[sflag:s23] =	ssyncadd.s32 $0xFFFFFFFF  }
0xa6: {  	s26 =	simm.s32 $execute0_lowered;
	[smem:$0x3FD2] =	sst s25  }
0xa7: {  	s6 =	sshll.u32 s26, $0x1;
	_ =	strace $0x80000046;
	[dreg:$0x1] =	wrdreg $0xFFFFFFFF  }
0xa8: {  	s28 =	simm.s32 $_size_execute0_lowered;
	s4 =	sadd.s32 s4, s6;
	[dreg:$0x0] =	wrdreg $0x0  }
0xa9: {  	s6 =	sshll.u32 s28, $0x1;
	[dreg:$0x2] =	wrdreg s4  }
0xaa: {  	[dreg:$0x3] =	wrdreg s6  }
0xab: {  	[dreg:$0x4] =	wrdreg $0xC0  }
0xac: {  	_ =	task [dreg:s8], $0x5FFFF  }
0xad: {  	[dreg:$0x1] =	wrdreg $0xFFFFFFFF  }
0xae: {  	[dreg:$0x0] =	wrdreg $0x60  }
0xaf: {  	[dreg:$0x2] =	wrdreg s24  }
0xb0: {  	[dreg:$0x3] =	wrdreg s2  }
0xb1: {  	[dreg:$0x4] =	wrdreg s18  }
0xb2: {  	[dreg:$0x5] =	wrdreg $0x9  }
0xb3: {  	_ =	task.clear_ibuf [dreg:s8], $0x6FFFF;
	_ =	strace $0x90000046  }
0xb4: {  	s29 =	simm.s32 $0x9;
	_ =	strace $0x80000048  }
0xb5: {  	_ =	swait.ge [sflag:s29], $0x1  }
0xb6: {  	[sflag:s29] =	ssyncadd.s32 $0xFFFFFFFF  }
0xb7: {  	_ =	strace $0x90000048  }
0xb8: {  	_ =	sfence  }
0xb9: {  	s30 =	sld [smem:$0x0];
	_ =	sdelay $0x2  }
0xba: {  	s31 =	sshll.u32 s1, $0xD;
	s1 =	sshrl.u32 s1, $0x2  }
0xbb: {  	s3 =	sand.u32 $0x4000, s31;
	s1 =	sadd.s32 s1, s30  }
0xbc: {  	s0 =	sor.u32 s3, s0;
	s1 =	sshll.u32 s1, $0x11  }
0xbd: {  	s0 =	sor.u32 s1, s0  }
0xbe: {  	s0 =	sadd.s32 $0x8F2B, s0  }
0xbf: {  	[sflag:s0] =	ssyncadd.remote.s32 $0x1  }
0xc0: {  	_ =	sfence.sel $0xFFFF  }
0xc1: {  	[dreg:$0x0] =	wrdreg $0xFFFFFFFF;
	(pc) =	sbr.abs _section_cstart, $3  }
0xc2: {  	[dreg:$0x1] =	wrdreg $0xFFFFFFFF  }
0xc3: {  	_ =	task.clear_ibuf [dreg:s8], $0x2FFFF;
	_ =	strace $0x9FFFFFFF  }
0xc4: {  	(tm) =	ssettm $0x7FFFFFFF  }
0xc5: {  	_ =	shalt  }
tec
execute0_lowered:
.L_overlay_start_1:
0x0: {  	(tag) =	ssettag $0x1  }
0x1: {  	s0 =	rddreg [dreg:$0x0]  }
0x2: {  	s2 =	rddreg [dreg:$0x1];
	s1 =	srdreg.scid  }
0x3: {  	s4 =	rddreg [dreg:$0x2];
	s22 =	stileid.u32  }
0x4: {  	s3 =	simm.s32 $0x0;
	s29 =	simm.s32 $0x2400;
	s30 =	simm.s32 $0x2C00  }
0x5: {  	s31 =	simm.s32 $0x3400;
	s28 =	simm.s32 $0x0;
	s1 =	sand.u32 $0x1, s1  }
0x6: {  	s5 =	sshll.u32 s22, $0xB;
	[smem:$0x7FF] =	sst s3;
	s8 =	sadd.s32 $0x400, s2  }
0x7: {  	s9 =	sadd.s32 $0x500, s2;
	s10 =	sadd.s32 $0x600, s2;
	s11 =	sadd.s32 $0x700, s2  }
0x8: {  	s12 =	sadd.s32 $0x800, s2;
	s13 =	sadd.s32 $0x900, s2;
	s14 =	sadd.s32 $0xA00, s2  }
0x9: {  	s15 =	sadd.s32 $0xB00, s2;
	s16 =	sadd.s32 $0xC00, s2;
	s17 =	sadd.s32 $0xD00, s2  }
0xa: {  	s18 =	sadd.s32 $0xE00, s2;
	s19 =	sadd.s32 $0xF00, s2;
	s24 =	sshll.u32 s22, $0x14  }
0xb: {  	s22 =	simm.s32 $0x6;
	s6 =	sshll.u32 s1, $0xA;
	s21 =	ssub.s32 $0x2, s1  }
0xc: {  	_ =	strace $0x80000047;
	s26 =	sadd.s32 s24, s4;
	s20 =	sor.u32 s6, s5  }
0xd: {  	s1 =	sshll.u32 s1, $0x13;
	s6 =	sshrl.u32 s20, $0x3;
	s23 =	sshll.u32 s20, $0x9  }
0xe: {  	s7 =	sshrl.u32 s21, $0x1;
	s0 =	sadd.s32 s6, s0;
	s25 =	sadd.s32 s4, s23  }
0xf: {  	s5 =	sadd.s32 $0x100, s2;
	s0 =	sadd.s32 $0x400, s0;
	[dreg:$0x6] =	wrdreg s25  }
0x10: {  	s21 =	ssub.s32 s21, s7;
	s20 =	sadd.s32 $0x1000, s25;
	[dreg:$0x5] =	wrdreg s0  }
0x11: {  	s7 =	sadd.s32 $0x300, s2;
	s23 =	sadd.s32 $0x2000, s25;
	[dreg:$0x7] =	wrdreg s20  }
0x12: {  	s6 =	sadd.s32 $0x200, s2;
	s24 =	sadd.s32 $0x7E000, s25;
	[dreg:$0x8] =	wrdreg s23  }
0x13: {  	s4 =	simm.s32 $0x5;
	s25 =	sadd.s32 $0x7F000, s25;
	[dreg:$0x9] =	wrdreg s24  }
0x14: {  	s0 =	sadd.s32 s1, s26;
	[dreg:$0xa] =	wrdreg s25;
	s26 =	smax.u32 s21, $0x1  }
0x15: {  	v0 =	vlaneseq.u32;
	s25 =	simm.s32 $0xC00;
	s21 =	simm.s32 $0x1C00;
	s20 =	simm.s32 $0x1  }
0x16: {  	v1 =	vshrl.u32 v0, $0x3;
	s1 =	simm.s32 $0x4;
	s24 =	simm.s32 $0x2;
	[dreg:$0x4] =	wrdreg s0  }
0x17: {  	vm0 =	vmmov $0xffff;
	v0 =	vand.u32 $0x7, v0;
	v1 =	vmul.u32 $0x8, v1;
	[dreg:$0xb] =	wrdreg s26;
	s0 =	simm.s32 $0x1400;
	s26 =	simm.s32 $0x3  }
.LBB2_1:
0x18: {  	[dreg:$0xc] =	wrdreg s28  }
0x19: {  	s23 =	rddreg [dreg:$0x5];
	s28 =	simm.s32 $0x7  }
0x1a: {  	[tilespmem:s3], [sflag:$0x7] =	stream.linear.gather [hbm4b:s23+s3], $0x400, $0x38;
	[tilespmem:$0x18400] =	vst v63  }
0x1b: {  	_ =	swait.ge [sflag:s28], $0x400  }
0x1c: {  	[sflag:s28] =	ssyncset.done $0x0  }
0x1d: {  	[sflag:s28] =	ssyncadd.s32 $0xFFFFFC00  }
0x1e: {  	v2 =	vld.msk [tilespmem:$0x0], $0xff;
	_ =	sdelay $0x4  }
0x1f: {  	v3 =	vshll.u32 v2, $0x5  }
0x20: {  	v2 =	vand.u32 $0x7, v2;
	v3 =	vand.u32 $0xFFFFFF00, v3  }
0x21: {  	v2 =	vor.u32 v2, v3  }
0x22: {  	v2 =	vperm.xlane v2, v0;
	_ =	sdelay $0x1  }
0x23: {  	v2 =	vadd.s32 v1, v2;
	_ =	sdelay $0x3  }
0x24: {  	s28 =	simm.s32 $0x400  }
0x25: {  	[tilespmem:s28], [sflag:$0x1] =	stream.indirect_vreg.gather [hbm4b:s2+s3], $0x80, v2, vm0, $0xb8;
	[tilespmem:$0x18400] =	vst v63  }
0x26: {  	_ = 	snop  }
0x27: {  	[tilespmem:s25], [sflag:$0x1] =	stream.indirect_vreg.gather [hbm4b:s5+s3], $0x80, v2, vm0, $0xb8;
	[tilespmem:$0x18400] =	vst v63  }
0x28: {  	_ = 	snop  }
0x29: {  	[tilespmem:s0], [sflag:$0x1] =	stream.indirect_vreg.gather [hbm4b:s6+s3], $0x80, v2, vm0, $0xb8;
	[tilespmem:$0x18400] =	vst v63  }
0x2a: {  	_ = 	snop  }
0x2b: {  	[tilespmem:s21], [sflag:$0x1] =	stream.indirect_vreg.gather [hbm4b:s7+s3], $0x80, v2, vm0, $0xb8;
	[tilespmem:$0x18400] =	vst v63  }
0x2c: {  	_ = 	snop  }
0x2d: {  	[tilespmem:s29], [sflag:$0x1] =	stream.indirect_vreg.gather [hbm4b:s8+s3], $0x80, v2, vm0, $0xb8;
	[tilespmem:$0x18400] =	vst v63  }
0x2e: {  	_ = 	snop  }
0x2f: {  	[tilespmem:s30], [sflag:$0x1] =	stream.indirect_vreg.gather [hbm4b:s9+s3], $0x80, v2, vm0, $0xb8;
	[tilespmem:$0x18400] =	vst v63  }
0x30: {  	_ = 	snop  }
0x31: {  	[tilespmem:s31], [sflag:$0x1] =	stream.indirect_vreg.gather [hbm4b:s10+s3], $0x80, v2, vm0, $0xb8;
	[tilespmem:$0x18400] =	vst v63  }
0x32: {  	s23 =	simm.s32 $0x3C00  }
0x33: {  	[tilespmem:s23], [sflag:$0x1] =	stream.indirect_vreg.gather [hbm4b:s11+s3], $0x80, v2, vm0, $0xb8;
	[tilespmem:$0x18400] =	vst v63  }
0x34: {  	s23 =	simm.s32 $0x4400  }
0x35: {  	[tilespmem:s23], [sflag:$0x1] =	stream.indirect_vreg.gather [hbm4b:s12+s3], $0x80, v2, vm0, $0xb8;
	[tilespmem:$0x18400] =	vst v63  }
0x36: {  	s23 =	simm.s32 $0x4C00  }
0x37: {  	[tilespmem:s23], [sflag:$0x1] =	stream.indirect_vreg.gather [hbm4b:s13+s3], $0x80, v2, vm0, $0xb8;
	[tilespmem:$0x18400] =	vst v63  }
0x38: {  	s23 =	simm.s32 $0x5400  }
0x39: {  	[tilespmem:s23], [sflag:$0x1] =	stream.indirect_vreg.gather [hbm4b:s14+s3], $0x80, v2, vm0, $0xb8;
	[tilespmem:$0x18400] =	vst v63  }
0x3a: {  	s23 =	simm.s32 $0x5C00  }
0x3b: {  	[tilespmem:s23], [sflag:$0x1] =	stream.indirect_vreg.gather [hbm4b:s15+s3], $0x80, v2, vm0, $0xb8;
	[tilespmem:$0x18400] =	vst v63  }
0x3c: {  	s23 =	simm.s32 $0x6400  }
0x3d: {  	[tilespmem:s23], [sflag:$0x1] =	stream.indirect_vreg.gather [hbm4b:s16+s3], $0x80, v2, vm0, $0xb8;
	[tilespmem:$0x18400] =	vst v63  }
0x3e: {  	s23 =	simm.s32 $0x6C00  }
0x3f: {  	[tilespmem:s23], [sflag:$0x1] =	stream.indirect_vreg.gather [hbm4b:s17+s3], $0x80, v2, vm0, $0xb8;
	[tilespmem:$0x18400] =	vst v63  }
0x40: {  	s23 =	simm.s32 $0x7400  }
0x41: {  	[tilespmem:s23], [sflag:$0x1] =	stream.indirect_vreg.gather [hbm4b:s18+s3], $0x80, v2, vm0, $0xb8;
	[tilespmem:$0x18400] =	vst v63  }
0x42: {  	s23 =	simm.s32 $0x7C00  }
0x43: {  	[tilespmem:s23], [sflag:$0x1] =	stream.indirect_vreg.gather [hbm4b:s19+s3], $0x80, v2, vm0, $0xb8;
	[tilespmem:$0x18400] =	vst v63  }
0x44: {  	v2 =	vld.msk [tilespmem:$0x8], $0xff;
	_ =	sdelay $0x4  }
0x45: {  	v3 =	vshll.u32 v2, $0x5  }
0x46: {  	v2 =	vand.u32 $0x7, v2;
	v3 =	vand.u32 $0xFFFFFF00, v3  }
0x47: {  	v2 =	vor.u32 v2, v3  }
0x48: {  	v2 =	vperm.xlane v2, v0;
	_ =	sdelay $0x1  }
0x49: {  	v2 =	vadd.s32 v1, v2;
	_ =	sdelay $0x3  }
0x4a: {  	s23 =	simm.s32 $0x8400  }
0x4b: {  	[tilespmem:s23], [sflag:$0x2] =	stream.indirect_vreg.gather [hbm4b:s2+s3], $0x80, v2, vm0, $0xb8;
	[tilespmem:$0x18400] =	vst v63  }
0x4c: {  	s23 =	simm.s32 $0x8C00  }
0x4d: {  	[tilespmem:s23], [sflag:$0x2] =	stream.indirect_vreg.gather [hbm4b:s5+s3], $0x80, v2, vm0, $0xb8;
	[tilespmem:$0x18400] =	vst v63  }
0x4e: {  	s23 =	simm.s32 $0x9400  }
0x4f: {  	[tilespmem:s23], [sflag:$0x2] =	stream.indirect_vreg.gather [hbm4b:s6+s3], $0x80, v2, vm0, $0xb8;
	[tilespmem:$0x18400] =	vst v63  }
0x50: {  	s23 =	simm.s32 $0x9C00  }
0x51: {  	[tilespmem:s23], [sflag:$0x2] =	stream.indirect_vreg.gather [hbm4b:s7+s3], $0x80, v2, vm0, $0xb8;
	[tilespmem:$0x18400] =	vst v63  }
0x52: {  	s23 =	simm.s32 $0xA400  }
0x53: {  	[tilespmem:s23], [sflag:$0x2] =	stream.indirect_vreg.gather [hbm4b:s8+s3], $0x80, v2, vm0, $0xb8;
	[tilespmem:$0x18400] =	vst v63  }
0x54: {  	s23 =	simm.s32 $0xAC00  }
0x55: {  	[tilespmem:s23], [sflag:$0x2] =	stream.indirect_vreg.gather [hbm4b:s9+s3], $0x80, v2, vm0, $0xb8;
	[tilespmem:$0x18400] =	vst v63  }
0x56: {  	s23 =	simm.s32 $0xB400  }
0x57: {  	[tilespmem:s23], [sflag:$0x2] =	stream.indirect_vreg.gather [hbm4b:s10+s3], $0x80, v2, vm0, $0xb8;
	[tilespmem:$0x18400] =	vst v63  }
0x58: {  	s23 =	simm.s32 $0xBC00  }
0x59: {  	[tilespmem:s23], [sflag:$0x2] =	stream.indirect_vreg.gather [hbm4b:s11+s3], $0x80, v2, vm0, $0xb8;
	[tilespmem:$0x18400] =	vst v63  }
0x5a: {  	s23 =	simm.s32 $0xC400  }
0x5b: {  	[tilespmem:s23], [sflag:$0x2] =	stream.indirect_vreg.gather [hbm4b:s12+s3], $0x80, v2, vm0, $0xb8;
	[tilespmem:$0x18400] =	vst v63  }
0x5c: {  	s23 =	simm.s32 $0xCC00  }
0x5d: {  	[tilespmem:s23], [sflag:$0x2] =	stream.indirect_vreg.gather [hbm4b:s13+s3], $0x80, v2, vm0, $0xb8;
	[tilespmem:$0x18400] =	vst v63  }
0x5e: {  	s23 =	simm.s32 $0xD400  }
0x5f: {  	[tilespmem:s23], [sflag:$0x2] =	stream.indirect_vreg.gather [hbm4b:s14+s3], $0x80, v2, vm0, $0xb8;
	[tilespmem:$0x18400] =	vst v63  }
0x60: {  	s23 =	simm.s32 $0xDC00  }
0x61: {  	[tilespmem:s23], [sflag:$0x2] =	stream.indirect_vreg.gather [hbm4b:s15+s3], $0x80, v2, vm0, $0xb8;
	[tilespmem:$0x18400] =	vst v63  }
0x62: {  	s23 =	simm.s32 $0xE400  }
0x63: {  	[tilespmem:s23], [sflag:$0x2] =	stream.indirect_vreg.gather [hbm4b:s16+s3], $0x80, v2, vm0, $0xb8;
	[tilespmem:$0x18400] =	vst v63  }
0x64: {  	s23 =	simm.s32 $0xEC00  }
0x65: {  	[tilespmem:s23], [sflag:$0x2] =	stream.indirect_vreg.gather [hbm4b:s17+s3], $0x80, v2, vm0, $0xb8;
	[tilespmem:$0x18400] =	vst v63  }
0x66: {  	s23 =	simm.s32 $0xF400  }
0x67: {  	[tilespmem:s23], [sflag:$0x2] =	stream.indirect_vreg.gather [hbm4b:s18+s3], $0x80, v2, vm0, $0xb8;
	[tilespmem:$0x18400] =	vst v63  }
0x68: {  	s23 =	simm.s32 $0xFC00  }
0x69: {  	[tilespmem:s23], [sflag:$0x2] =	stream.indirect_vreg.gather [hbm4b:s19+s3], $0x80, v2, vm0, $0xb8;
	[tilespmem:$0x18400] =	vst v63  }
0x6a: {  	v2 =	vld.msk [tilespmem:$0x10], $0xff;
	_ =	sdelay $0x4  }
0x6b: {  	v3 =	vshll.u32 v2, $0x5  }
0x6c: {  	v2 =	vand.u32 $0x7, v2;
	v3 =	vand.u32 $0xFFFFFF00, v3  }
0x6d: {  	v2 =	vor.u32 v2, v3  }
0x6e: {  	v2 =	vperm.xlane v2, v0;
	_ =	sdelay $0x1  }
0x6f: {  	v2 =	vadd.s32 v1, v2;
	_ =	sdelay $0x3  }
0x70: {  	s23 =	simm.s32 $0x10400  }
0x71: {  	[tilespmem:s23], [sflag:$0x3] =	stream.indirect_vreg.gather [hbm4b:s2+s3], $0x80, v2, vm0, $0xb8;
	[tilespmem:$0x18400] =	vst v63  }
0x72: {  	s23 =	simm.s32 $0x10C00  }
0x73: {  	[tilespmem:s23], [sflag:$0x3] =	stream.indirect_vreg.gather [hbm4b:s5+s3], $0x80, v2, vm0, $0xb8;
	[tilespmem:$0x18400] =	vst v63  }
0x74: {  	s23 =	simm.s32 $0x11400  }
0x75: {  	[tilespmem:s23], [sflag:$0x3] =	stream.indirect_vreg.gather [hbm4b:s6+s3], $0x80, v2, vm0, $0xb8;
	[tilespmem:$0x18400] =	vst v63  }
0x76: {  	s23 =	simm.s32 $0x11C00  }
0x77: {  	[tilespmem:s23], [sflag:$0x3] =	stream.indirect_vreg.gather [hbm4b:s7+s3], $0x80, v2, vm0, $0xb8;
	[tilespmem:$0x18400] =	vst v63  }
0x78: {  	s23 =	simm.s32 $0x12400  }
0x79: {  	[tilespmem:s23], [sflag:$0x3] =	stream.indirect_vreg.gather [hbm4b:s8+s3], $0x80, v2, vm0, $0xb8;
	[tilespmem:$0x18400] =	vst v63  }
0x7a: {  	s23 =	simm.s32 $0x12C00  }
0x7b: {  	[tilespmem:s23], [sflag:$0x3] =	stream.indirect_vreg.gather [hbm4b:s9+s3], $0x80, v2, vm0, $0xb8;
	[tilespmem:$0x18400] =	vst v63  }
0x7c: {  	s23 =	simm.s32 $0x13400  }
0x7d: {  	[tilespmem:s23], [sflag:$0x3] =	stream.indirect_vreg.gather [hbm4b:s10+s3], $0x80, v2, vm0, $0xb8;
	[tilespmem:$0x18400] =	vst v63  }
0x7e: {  	s23 =	simm.s32 $0x13C00  }
0x7f: {  	[tilespmem:s23], [sflag:$0x3] =	stream.indirect_vreg.gather [hbm4b:s11+s3], $0x80, v2, vm0, $0xb8;
	[tilespmem:$0x18400] =	vst v63  }
0x80: {  	s23 =	simm.s32 $0x14400  }
0x81: {  	[tilespmem:s23], [sflag:$0x3] =	stream.indirect_vreg.gather [hbm4b:s12+s3], $0x80, v2, vm0, $0xb8;
	[tilespmem:$0x18400] =	vst v63  }
0x82: {  	s23 =	simm.s32 $0x14C00  }
0x83: {  	[tilespmem:s23], [sflag:$0x3] =	stream.indirect_vreg.gather [hbm4b:s13+s3], $0x80, v2, vm0, $0xb8;
	[tilespmem:$0x18400] =	vst v63  }
0x84: {  	s23 =	simm.s32 $0x15400  }
0x85: {  	[tilespmem:s23], [sflag:$0x3] =	stream.indirect_vreg.gather [hbm4b:s14+s3], $0x80, v2, vm0, $0xb8;
	[tilespmem:$0x18400] =	vst v63  }
0x86: {  	s23 =	simm.s32 $0x15C00  }
0x87: {  	[tilespmem:s23], [sflag:$0x3] =	stream.indirect_vreg.gather [hbm4b:s15+s3], $0x80, v2, vm0, $0xb8;
	[tilespmem:$0x18400] =	vst v63  }
0x88: {  	s23 =	simm.s32 $0x16400  }
0x89: {  	[tilespmem:s23], [sflag:$0x3] =	stream.indirect_vreg.gather [hbm4b:s16+s3], $0x80, v2, vm0, $0xb8;
	[tilespmem:$0x18400] =	vst v63  }
0x8a: {  	s23 =	simm.s32 $0x16C00  }
0x8b: {  	[tilespmem:s23], [sflag:$0x3] =	stream.indirect_vreg.gather [hbm4b:s17+s3], $0x80, v2, vm0, $0xb8;
	[tilespmem:$0x18400] =	vst v63  }
0x8c: {  	s23 =	simm.s32 $0x17400  }
0x8d: {  	[tilespmem:s23], [sflag:$0x3] =	stream.indirect_vreg.gather [hbm4b:s18+s3], $0x80, v2, vm0, $0xb8;
	[tilespmem:$0x18400] =	vst v63  }
0x8e: {  	s23 =	simm.s32 $0x17C00  }
0x8f: {  	[tilespmem:s23], [sflag:$0x3] =	stream.indirect_vreg.gather [hbm4b:s19+s3], $0x80, v2, vm0, $0xb8;
	[tilespmem:$0x18400] =	vst v63  }
0x90: {  	_ =	swait.ge [sflag:s20], $0x8000  }
0x91: {  	[sflag:s20] =	ssyncset.done $0x0  }
0x92: {  	s23 =	rddreg [dreg:$0x6];
	[sflag:s20] =	ssyncadd.s32 $0xFFFF8000  }
0x93: {  	[hbm4b:s23+s3] =	stream.linear.scatter [tilespmem:s28], [sflag:$0x4], $0x8000, $0x38;
	[tilespmem:$0x18400] =	vst v63  }
0x94: {  	_ =	swait.ge [sflag:s1], $0x8000  }
0x95: {  	[sflag:s1] =	ssyncset.done $0x0  }
0x96: {  	[sflag:s1] =	ssyncadd.s32 $0xFFFF8000  }
0x97: {  	v2 =	vld.msk [tilespmem:$0x18], $0xff;
	_ =	sdelay $0x4  }
0x98: {  	v3 =	vshll.u32 v2, $0x5  }
0x99: {  	v2 =	vand.u32 $0x7, v2;
	v3 =	vand.u32 $0xFFFFFF00, v3  }
0x9a: {  	v2 =	vor.u32 v2, v3  }
0x9b: {  	v2 =	vperm.xlane v2, v0;
	_ =	sdelay $0x1  }
0x9c: {  	v2 =	vadd.s32 v1, v2;
	_ =	sdelay $0x4  }
0x9d: {  	[tilespmem:s28], [sflag:$0x1] =	stream.indirect_vreg.gather [hbm4b:s2+s3], $0x80, v2, vm0, $0xb8;
	[tilespmem:$0x18400] =	vst v63  }
0x9e: {  	_ = 	snop  }
0x9f: {  	[tilespmem:s25], [sflag:$0x1] =	stream.indirect_vreg.gather [hbm4b:s5+s3], $0x80, v2, vm0, $0xb8;
	[tilespmem:$0x18400] =	vst v63  }
0xa0: {  	_ = 	snop  }
0xa1: {  	[tilespmem:s0], [sflag:$0x1] =	stream.indirect_vreg.gather [hbm4b:s6+s3], $0x80, v2, vm0, $0xb8;
	[tilespmem:$0x18400] =	vst v63  }
0xa2: {  	_ = 	snop  }
0xa3: {  	[tilespmem:s21], [sflag:$0x1] =	stream.indirect_vreg.gather [hbm4b:s7+s3], $0x80, v2, vm0, $0xb8;
	[tilespmem:$0x18400] =	vst v63  }
0xa4: {  	_ = 	snop  }
0xa5: {  	[tilespmem:s29], [sflag:$0x1] =	stream.indirect_vreg.gather [hbm4b:s8+s3], $0x80, v2, vm0, $0xb8;
	[tilespmem:$0x18400] =	vst v63  }
0xa6: {  	_ = 	snop  }
0xa7: {  	[tilespmem:s30], [sflag:$0x1] =	stream.indirect_vreg.gather [hbm4b:s9+s3], $0x80, v2, vm0, $0xb8;
	[tilespmem:$0x18400] =	vst v63  }
0xa8: {  	_ = 	snop  }
0xa9: {  	[tilespmem:s31], [sflag:$0x1] =	stream.indirect_vreg.gather [hbm4b:s10+s3], $0x80, v2, vm0, $0xb8;
	[tilespmem:$0x18400] =	vst v63  }
0xaa: {  	s30 =	simm.s32 $0x3C00  }
0xab: {  	[tilespmem:s30], [sflag:$0x1] =	stream.indirect_vreg.gather [hbm4b:s11+s3], $0x80, v2, vm0, $0xb8;
	[tilespmem:$0x18400] =	vst v63  }
0xac: {  	s31 =	simm.s32 $0x4400  }
0xad: {  	[tilespmem:s31], [sflag:$0x1] =	stream.indirect_vreg.gather [hbm4b:s12+s3], $0x80, v2, vm0, $0xb8;
	[tilespmem:$0x18400] =	vst v63  }
0xae: {  	s23 =	simm.s32 $0x4C00  }
0xaf: {  	[tilespmem:s23], [sflag:$0x1] =	stream.indirect_vreg.gather [hbm4b:s13+s3], $0x80, v2, vm0, $0xb8;
	[tilespmem:$0x18400] =	vst v63  }
0xb0: {  	s25 =	simm.s32 $0x5400  }
0xb1: {  	[tilespmem:s25], [sflag:$0x1] =	stream.indirect_vreg.gather [hbm4b:s14+s3], $0x80, v2, vm0, $0xb8;
	[tilespmem:$0x18400] =	vst v63  }
0xb2: {  	s28 =	simm.s32 $0x5C00  }
0xb3: {  	[tilespmem:s28], [sflag:$0x1] =	stream.indirect_vreg.gather [hbm4b:s15+s3], $0x80, v2, vm0, $0xb8;
	[tilespmem:$0x18400] =	vst v63  }
0xb4: {  	s30 =	simm.s32 $0x6400  }
0xb5: {  	[tilespmem:s30], [sflag:$0x1] =	stream.indirect_vreg.gather [hbm4b:s16+s3], $0x80, v2, vm0, $0xb8;
	[tilespmem:$0x18400] =	vst v63  }
0xb6: {  	s31 =	simm.s32 $0x6C00  }
0xb7: {  	[tilespmem:s31], [sflag:$0x1] =	stream.indirect_vreg.gather [hbm4b:s17+s3], $0x80, v2, vm0, $0xb8;
	[tilespmem:$0x18400] =	vst v63  }
0xb8: {  	s23 =	simm.s32 $0x7400  }
0xb9: {  	[tilespmem:s23], [sflag:$0x1] =	stream.indirect_vreg.gather [hbm4b:s18+s3], $0x80, v2, vm0, $0xb8;
	[tilespmem:$0x18400] =	vst v63  }
0xba: {  	s25 =	simm.s32 $0x7C00  }
0xbb: {  	[tilespmem:s25], [sflag:$0x1] =	stream.indirect_vreg.gather [hbm4b:s19+s3], $0x80, v2, vm0, $0xb8;
	[tilespmem:$0x18400] =	vst v63  }
0xbc: {  	_ =	swait.ge [sflag:s24], $0x8000  }
0xbd: {  	[sflag:s24] =	ssyncset.done $0x0  }
0xbe: {  	s30 =	simm.s32 $0x8400;
	s28 =	rddreg [dreg:$0x7];
	[sflag:s24] =	ssyncadd.s32 $0xFFFF8000  }
0xbf: {  	[hbm4b:s28+s3] =	stream.linear.scatter [tilespmem:s30], [sflag:$0x5], $0x8000, $0x38;
	[tilespmem:$0x18400] =	vst v63  }
0xc0: {  	_ =	swait.ge [sflag:s4], $0x8000  }
0xc1: {  	[sflag:s4] =	ssyncset.done $0x0  }
0xc2: {  	[sflag:s4] =	ssyncadd.s32 $0xFFFF8000  }
0xc3: {  	v2 =	vld.msk [tilespmem:$0x20], $0xff;
	_ =	sdelay $0x4  }
0xc4: {  	v3 =	vshll.u32 v2, $0x5  }
0xc5: {  	v2 =	vand.u32 $0x7, v2;
	v3 =	vand.u32 $0xFFFFFF00, v3  }
0xc6: {  	v2 =	vor.u32 v2, v3  }
0xc7: {  	v2 =	vperm.xlane v2, v0;
	_ =	sdelay $0x1  }
0xc8: {  	v2 =	vadd.s32 v1, v2;
	_ =	sdelay $0x4  }
0xc9: {  	[tilespmem:s30], [sflag:$0x2] =	stream.indirect_vreg.gather [hbm4b:s2+s3], $0x80, v2, vm0, $0xb8;
	[tilespmem:$0x18400] =	vst v63  }
0xca: {  	s31 =	simm.s32 $0x8C00  }
0xcb: {  	[tilespmem:s31], [sflag:$0x2] =	stream.indirect_vreg.gather [hbm4b:s5+s3], $0x80, v2, vm0, $0xb8;
	[tilespmem:$0x18400] =	vst v63  }
0xcc: {  	s23 =	simm.s32 $0x9400  }
0xcd: {  	[tilespmem:s23], [sflag:$0x2] =	stream.indirect_vreg.gather [hbm4b:s6+s3], $0x80, v2, vm0, $0xb8;
	[tilespmem:$0x18400] =	vst v63  }
0xce: {  	s25 =	simm.s32 $0x9C00  }
0xcf: {  	[tilespmem:s25], [sflag:$0x2] =	stream.indirect_vreg.gather [hbm4b:s7+s3], $0x80, v2, vm0, $0xb8;
	[tilespmem:$0x18400] =	vst v63  }
0xd0: {  	s28 =	simm.s32 $0xA400  }
0xd1: {  	[tilespmem:s28], [sflag:$0x2] =	stream.indirect_vreg.gather [hbm4b:s8+s3], $0x80, v2, vm0, $0xb8;
	[tilespmem:$0x18400] =	vst v63  }
0xd2: {  	s30 =	simm.s32 $0xAC00  }
0xd3: {  	[tilespmem:s30], [sflag:$0x2] =	stream.indirect_vreg.gather [hbm4b:s9+s3], $0x80, v2, vm0, $0xb8;
	[tilespmem:$0x18400] =	vst v63  }
0xd4: {  	s31 =	simm.s32 $0xB400  }
0xd5: {  	[tilespmem:s31], [sflag:$0x2] =	stream.indirect_vreg.gather [hbm4b:s10+s3], $0x80, v2, vm0, $0xb8;
	[tilespmem:$0x18400] =	vst v63  }
0xd6: {  	s23 =	simm.s32 $0xBC00  }
0xd7: {  	[tilespmem:s23], [sflag:$0x2] =	stream.indirect_vreg.gather [hbm4b:s11+s3], $0x80, v2, vm0, $0xb8;
	[tilespmem:$0x18400] =	vst v63  }
0xd8: {  	s25 =	simm.s32 $0xC400  }
0xd9: {  	[tilespmem:s25], [sflag:$0x2] =	stream.indirect_vreg.gather [hbm4b:s12+s3], $0x80, v2, vm0, $0xb8;
	[tilespmem:$0x18400] =	vst v63  }
0xda: {  	s28 =	simm.s32 $0xCC00  }
0xdb: {  	[tilespmem:s28], [sflag:$0x2] =	stream.indirect_vreg.gather [hbm4b:s13+s3], $0x80, v2, vm0, $0xb8;
	[tilespmem:$0x18400] =	vst v63  }
0xdc: {  	s30 =	simm.s32 $0xD400  }
0xdd: {  	[tilespmem:s30], [sflag:$0x2] =	stream.indirect_vreg.gather [hbm4b:s14+s3], $0x80, v2, vm0, $0xb8;
	[tilespmem:$0x18400] =	vst v63  }
0xde: {  	s31 =	simm.s32 $0xDC00  }
0xdf: {  	[tilespmem:s31], [sflag:$0x2] =	stream.indirect_vreg.gather [hbm4b:s15+s3], $0x80, v2, vm0, $0xb8;
	[tilespmem:$0x18400] =	vst v63  }
0xe0: {  	s23 =	simm.s32 $0xE400  }
0xe1: {  	[tilespmem:s23], [sflag:$0x2] =	stream.indirect_vreg.gather [hbm4b:s16+s3], $0x80, v2, vm0, $0xb8;
	[tilespmem:$0x18400] =	vst v63  }
0xe2: {  	s25 =	simm.s32 $0xEC00  }
0xe3: {  	[tilespmem:s25], [sflag:$0x2] =	stream.indirect_vreg.gather [hbm4b:s17+s3], $0x80, v2, vm0, $0xb8;
	[tilespmem:$0x18400] =	vst v63  }
0xe4: {  	s28 =	simm.s32 $0xF400  }
0xe5: {  	[tilespmem:s28], [sflag:$0x2] =	stream.indirect_vreg.gather [hbm4b:s18+s3], $0x80, v2, vm0, $0xb8;
	[tilespmem:$0x18400] =	vst v63  }
0xe6: {  	s30 =	simm.s32 $0xFC00  }
0xe7: {  	[tilespmem:s30], [sflag:$0x2] =	stream.indirect_vreg.gather [hbm4b:s19+s3], $0x80, v2, vm0, $0xb8;
	[tilespmem:$0x18400] =	vst v63  }
0xe8: {  	_ =	swait.ge [sflag:s26], $0x8000  }
0xe9: {  	s0 =	simm.s32 $0x10400;
	s29 =	simm.s32 $0x38;
	[sflag:s26] =	ssyncset.done $0x0  }
0xea: {  	s25 =	simm.s32 $0x0;
	s31 =	rddreg [dreg:$0x8];
	[sflag:s26] =	ssyncadd.s32 $0xFFFF8000  }
0xeb: {  	[hbm4b:s31+s3] =	stream.linear.scatter [tilespmem:s0], [sflag:$0x6], $0x8000, $0x38;
	[tilespmem:$0x18400] =	vst v63  }
.LBB2_2:
0xec: {  	_ =	swait.ge [sflag:s22], $0x8000  }
0xed: {  	[sflag:s22] =	ssyncset.done $0x0  }
0xee: {  	[sflag:s22] =	ssyncadd.s32 $0xFFFF8000  }
0xef: {  	v2 =	vld.msk [tilespmem:s29+$0xFFFFFFF0], $0xff;
	_ =	sdelay $0x4  }
0xf0: {  	v3 =	vshll.u32 v2, $0x5  }
0xf1: {  	v2 =	vand.u32 $0x7, v2;
	v3 =	vand.u32 $0xFFFFFF00, v3  }
0xf2: {  	v2 =	vor.u32 v2, v3  }
0xf3: {  	v2 =	vperm.xlane v2, v0;
	_ =	sdelay $0x1  }
0xf4: {  	v2 =	vadd.s32 v1, v2;
	_ =	sdelay $0x4  }
0xf5: {  	[tilespmem:s0], [sflag:$0x3] =	stream.indirect_vreg.gather [hbm4b:s2+s3], $0x80, v2, vm0, $0xb8;
	[tilespmem:$0x18400] =	vst v63  }
0xf6: {  	s23 =	simm.s32 $0x10C00  }
0xf7: {  	[tilespmem:s23], [sflag:$0x3] =	stream.indirect_vreg.gather [hbm4b:s5+s3], $0x80, v2, vm0, $0xb8;
	[tilespmem:$0x18400] =	vst v63  }
0xf8: {  	s30 =	simm.s32 $0x11400  }
0xf9: {  	[tilespmem:s30], [sflag:$0x3] =	stream.indirect_vreg.gather [hbm4b:s6+s3], $0x80, v2, vm0, $0xb8;
	[tilespmem:$0x18400] =	vst v63  }
0xfa: {  	s21 =	simm.s32 $0x11C00  }
0xfb: {  	[tilespmem:s21], [sflag:$0x3] =	stream.indirect_vreg.gather [hbm4b:s7+s3], $0x80, v2, vm0, $0xb8;
	[tilespmem:$0x18400] =	vst v63  }
0xfc: {  	s23 =	simm.s32 $0x12400  }
0xfd: {  	[tilespmem:s23], [sflag:$0x3] =	stream.indirect_vreg.gather [hbm4b:s8+s3], $0x80, v2, vm0, $0xb8;
	[tilespmem:$0x18400] =	vst v63  }
0xfe: {  	s30 =	simm.s32 $0x12C00  }
0xff: {  	[tilespmem:s30], [sflag:$0x3] =	stream.indirect_vreg.gather [hbm4b:s9+s3], $0x80, v2, vm0, $0xb8;
	[tilespmem:$0x18400] =	vst v63  }
0x100: {  	s21 =	simm.s32 $0x13400  }
0x101: {  	[tilespmem:s21], [sflag:$0x3] =	stream.indirect_vreg.gather [hbm4b:s10+s3], $0x80, v2, vm0, $0xb8;
	[tilespmem:$0x18400] =	vst v63  }
0x102: {  	s23 =	simm.s32 $0x13C00  }
0x103: {  	[tilespmem:s23], [sflag:$0x3] =	stream.indirect_vreg.gather [hbm4b:s11+s3], $0x80, v2, vm0, $0xb8;
	[tilespmem:$0x18400] =	vst v63  }
0x104: {  	s30 =	simm.s32 $0x14400  }
0x105: {  	[tilespmem:s30], [sflag:$0x3] =	stream.indirect_vreg.gather [hbm4b:s12+s3], $0x80, v2, vm0, $0xb8;
	[tilespmem:$0x18400] =	vst v63  }
0x106: {  	s21 =	simm.s32 $0x14C00  }
0x107: {  	[tilespmem:s21], [sflag:$0x3] =	stream.indirect_vreg.gather [hbm4b:s13+s3], $0x80, v2, vm0, $0xb8;
	[tilespmem:$0x18400] =	vst v63  }
0x108: {  	s23 =	simm.s32 $0x15400  }
0x109: {  	[tilespmem:s23], [sflag:$0x3] =	stream.indirect_vreg.gather [hbm4b:s14+s3], $0x80, v2, vm0, $0xb8;
	[tilespmem:$0x18400] =	vst v63  }
0x10a: {  	s30 =	simm.s32 $0x15C00  }
0x10b: {  	[tilespmem:s30], [sflag:$0x3] =	stream.indirect_vreg.gather [hbm4b:s15+s3], $0x80, v2, vm0, $0xb8;
	[tilespmem:$0x18400] =	vst v63  }
0x10c: {  	s21 =	simm.s32 $0x16400  }
0x10d: {  	[tilespmem:s21], [sflag:$0x3] =	stream.indirect_vreg.gather [hbm4b:s16+s3], $0x80, v2, vm0, $0xb8;
	[tilespmem:$0x18400] =	vst v63  }
0x10e: {  	s23 =	simm.s32 $0x16C00  }
0x10f: {  	[tilespmem:s23], [sflag:$0x3] =	stream.indirect_vreg.gather [hbm4b:s17+s3], $0x80, v2, vm0, $0xb8;
	[tilespmem:$0x18400] =	vst v63  }
0x110: {  	s30 =	simm.s32 $0x17400  }
0x111: {  	[tilespmem:s30], [sflag:$0x3] =	stream.indirect_vreg.gather [hbm4b:s18+s3], $0x80, v2, vm0, $0xb8;
	[tilespmem:$0x18400] =	vst v63  }
0x112: {  	s21 =	simm.s32 $0x17C00  }
0x113: {  	[tilespmem:s21], [sflag:$0x3] =	stream.indirect_vreg.gather [hbm4b:s19+s3], $0x80, v2, vm0, $0xb8;
	[tilespmem:$0x18400] =	vst v63  }
0x114: {  	_ =	swait.ge [sflag:s20], $0x8000  }
0x115: {  	s30 =	rddreg [dreg:$0x4]  }
0x116: {  	[sflag:s20] =	ssyncset.done $0x0;
	s30 =	sadd.s32 s25, s30  }
0x117: {  	s21 =	simm.s32 $0x400;
	[sflag:s20] =	ssyncadd.s32 $0xFFFF8000;
	s23 =	sadd.s32 $0x3000, s30  }
0x118: {  	[hbm4b:s23+s3] =	stream.linear.scatter [tilespmem:s21], [sflag:$0x4], $0x8000, $0x38;
	[tilespmem:$0x18400] =	vst v63  }
0x119: {  	_ =	swait.ge [sflag:s1], $0x8000  }
0x11a: {  	[sflag:s1] =	ssyncset.done $0x0  }
0x11b: {  	[sflag:s1] =	ssyncadd.s32 $0xFFFF8000  }
0x11c: {  	v2 =	vld.msk [tilespmem:s29+$0xFFFFFFF8], $0xff;
	_ =	sdelay $0x4  }
0x11d: {  	v3 =	vshll.u32 v2, $0x5  }
0x11e: {  	v2 =	vand.u32 $0x7, v2;
	v3 =	vand.u32 $0xFFFFFF00, v3  }
0x11f: {  	v2 =	vor.u32 v2, v3  }
0x120: {  	v2 =	vperm.xlane v2, v0;
	_ =	sdelay $0x1  }
0x121: {  	v2 =	vadd.s32 v1, v2;
	_ =	sdelay $0x4  }
0x122: {  	[tilespmem:s21], [sflag:$0x1] =	stream.indirect_vreg.gather [hbm4b:s2+s3], $0x80, v2, vm0, $0xb8;
	[tilespmem:$0x18400] =	vst v63  }
0x123: {  	s23 =	simm.s32 $0xC00  }
0x124: {  	[tilespmem:s23], [sflag:$0x1] =	stream.indirect_vreg.gather [hbm4b:s5+s3], $0x80, v2, vm0, $0xb8;
	[tilespmem:$0x18400] =	vst v63  }
0x125: {  	s23 =	simm.s32 $0x1400  }
0x126: {  	[tilespmem:s23], [sflag:$0x1] =	stream.indirect_vreg.gather [hbm4b:s6+s3], $0x80, v2, vm0, $0xb8;
	[tilespmem:$0x18400] =	vst v63  }
0x127: {  	s21 =	simm.s32 $0x1C00  }
0x128: {  	[tilespmem:s21], [sflag:$0x1] =	stream.indirect_vreg.gather [hbm4b:s7+s3], $0x80, v2, vm0, $0xb8;
	[tilespmem:$0x18400] =	vst v63  }
0x129: {  	s23 =	simm.s32 $0x2400  }
0x12a: {  	[tilespmem:s23], [sflag:$0x1] =	stream.indirect_vreg.gather [hbm4b:s8+s3], $0x80, v2, vm0, $0xb8;
	[tilespmem:$0x18400] =	vst v63  }
0x12b: {  	s23 =	simm.s32 $0x2C00  }
0x12c: {  	[tilespmem:s23], [sflag:$0x1] =	stream.indirect_vreg.gather [hbm4b:s9+s3], $0x80, v2, vm0, $0xb8;
	[tilespmem:$0x18400] =	vst v63  }
0x12d: {  	s23 =	simm.s32 $0x3400  }
0x12e: {  	[tilespmem:s23], [sflag:$0x1] =	stream.indirect_vreg.gather [hbm4b:s10+s3], $0x80, v2, vm0, $0xb8;
	[tilespmem:$0x18400] =	vst v63  }
0x12f: {  	s23 =	simm.s32 $0x3C00  }
0x130: {  	[tilespmem:s23], [sflag:$0x1] =	stream.indirect_vreg.gather [hbm4b:s11+s3], $0x80, v2, vm0, $0xb8;
	[tilespmem:$0x18400] =	vst v63  }
0x131: {  	s23 =	simm.s32 $0x4400  }
0x132: {  	[tilespmem:s23], [sflag:$0x1] =	stream.indirect_vreg.gather [hbm4b:s12+s3], $0x80, v2, vm0, $0xb8;
	[tilespmem:$0x18400] =	vst v63  }
0x133: {  	s23 =	simm.s32 $0x4C00  }
0x134: {  	[tilespmem:s23], [sflag:$0x1] =	stream.indirect_vreg.gather [hbm4b:s13+s3], $0x80, v2, vm0, $0xb8;
	[tilespmem:$0x18400] =	vst v63  }
0x135: {  	s23 =	simm.s32 $0x5400  }
0x136: {  	[tilespmem:s23], [sflag:$0x1] =	stream.indirect_vreg.gather [hbm4b:s14+s3], $0x80, v2, vm0, $0xb8;
	[tilespmem:$0x18400] =	vst v63  }
0x137: {  	s23 =	simm.s32 $0x5C00  }
0x138: {  	[tilespmem:s23], [sflag:$0x1] =	stream.indirect_vreg.gather [hbm4b:s15+s3], $0x80, v2, vm0, $0xb8;
	[tilespmem:$0x18400] =	vst v63  }
0x139: {  	s23 =	simm.s32 $0x6400  }
0x13a: {  	[tilespmem:s23], [sflag:$0x1] =	stream.indirect_vreg.gather [hbm4b:s16+s3], $0x80, v2, vm0, $0xb8;
	[tilespmem:$0x18400] =	vst v63  }
0x13b: {  	s23 =	simm.s32 $0x6C00  }
0x13c: {  	[tilespmem:s23], [sflag:$0x1] =	stream.indirect_vreg.gather [hbm4b:s17+s3], $0x80, v2, vm0, $0xb8;
	[tilespmem:$0x18400] =	vst v63  }
0x13d: {  	s23 =	simm.s32 $0x7400  }
0x13e: {  	[tilespmem:s23], [sflag:$0x1] =	stream.indirect_vreg.gather [hbm4b:s18+s3], $0x80, v2, vm0, $0xb8;
	[tilespmem:$0x18400] =	vst v63  }
0x13f: {  	s23 =	simm.s32 $0x7C00  }
0x140: {  	[tilespmem:s23], [sflag:$0x1] =	stream.indirect_vreg.gather [hbm4b:s19+s3], $0x80, v2, vm0, $0xb8;
	[tilespmem:$0x18400] =	vst v63  }
0x141: {  	_ =	swait.ge [sflag:s24], $0x8000  }
0x142: {  	[sflag:s24] =	ssyncset.done $0x0  }
0x143: {  	s0 =	simm.s32 $0x8400;
	s23 =	sadd.s32 $0x4000, s30;
	[sflag:s24] =	ssyncadd.s32 $0xFFFF8000  }
0x144: {  	[hbm4b:s23+s3] =	stream.linear.scatter [tilespmem:s0], [sflag:$0x5], $0x8000, $0x38;
	[tilespmem:$0x18400] =	vst v63  }
0x145: {  	_ =	swait.ge [sflag:s4], $0x8000  }
0x146: {  	[sflag:s4] =	ssyncset.done $0x0  }
0x147: {  	[sflag:s4] =	ssyncadd.s32 $0xFFFF8000  }
0x148: {  	v2 =	vld.msk [tilespmem:s29+$0x0], $0xff;
	_ =	sdelay $0x4  }
0x149: {  	v3 =	vshll.u32 v2, $0x5  }
0x14a: {  	v2 =	vand.u32 $0x7, v2;
	v3 =	vand.u32 $0xFFFFFF00, v3  }
0x14b: {  	v2 =	vor.u32 v2, v3  }
0x14c: {  	v2 =	vperm.xlane v2, v0;
	_ =	sdelay $0x1  }
0x14d: {  	v2 =	vadd.s32 v1, v2;
	_ =	sdelay $0x4  }
0x14e: {  	[tilespmem:s0], [sflag:$0x2] =	stream.indirect_vreg.gather [hbm4b:s2+s3], $0x80, v2, vm0, $0xb8;
	[tilespmem:$0x18400] =	vst v63  }
0x14f: {  	s23 =	simm.s32 $0x8C00  }
0x150: {  	[tilespmem:s23], [sflag:$0x2] =	stream.indirect_vreg.gather [hbm4b:s5+s3], $0x80, v2, vm0, $0xb8;
	[tilespmem:$0x18400] =	vst v63  }
0x151: {  	s23 =	simm.s32 $0x9400  }
0x152: {  	[tilespmem:s23], [sflag:$0x2] =	stream.indirect_vreg.gather [hbm4b:s6+s3], $0x80, v2, vm0, $0xb8;
	[tilespmem:$0x18400] =	vst v63  }
0x153: {  	s23 =	simm.s32 $0x9C00  }
0x154: {  	[tilespmem:s23], [sflag:$0x2] =	stream.indirect_vreg.gather [hbm4b:s7+s3], $0x80, v2, vm0, $0xb8;
	[tilespmem:$0x18400] =	vst v63  }
0x155: {  	s23 =	simm.s32 $0xA400  }
0x156: {  	[tilespmem:s23], [sflag:$0x2] =	stream.indirect_vreg.gather [hbm4b:s8+s3], $0x80, v2, vm0, $0xb8;
	[tilespmem:$0x18400] =	vst v63  }
0x157: {  	s23 =	simm.s32 $0xAC00  }
0x158: {  	[tilespmem:s23], [sflag:$0x2] =	stream.indirect_vreg.gather [hbm4b:s9+s3], $0x80, v2, vm0, $0xb8;
	[tilespmem:$0x18400] =	vst v63  }
0x159: {  	s23 =	simm.s32 $0xB400  }
0x15a: {  	[tilespmem:s23], [sflag:$0x2] =	stream.indirect_vreg.gather [hbm4b:s10+s3], $0x80, v2, vm0, $0xb8;
	[tilespmem:$0x18400] =	vst v63  }
0x15b: {  	s23 =	simm.s32 $0xBC00  }
0x15c: {  	[tilespmem:s23], [sflag:$0x2] =	stream.indirect_vreg.gather [hbm4b:s11+s3], $0x80, v2, vm0, $0xb8;
	[tilespmem:$0x18400] =	vst v63  }
0x15d: {  	s23 =	simm.s32 $0xC400  }
0x15e: {  	[tilespmem:s23], [sflag:$0x2] =	stream.indirect_vreg.gather [hbm4b:s12+s3], $0x80, v2, vm0, $0xb8;
	[tilespmem:$0x18400] =	vst v63  }
0x15f: {  	s23 =	simm.s32 $0xCC00  }
0x160: {  	[tilespmem:s23], [sflag:$0x2] =	stream.indirect_vreg.gather [hbm4b:s13+s3], $0x80, v2, vm0, $0xb8;
	[tilespmem:$0x18400] =	vst v63  }
0x161: {  	s23 =	simm.s32 $0xD400  }
0x162: {  	[tilespmem:s23], [sflag:$0x2] =	stream.indirect_vreg.gather [hbm4b:s14+s3], $0x80, v2, vm0, $0xb8;
	[tilespmem:$0x18400] =	vst v63  }
0x163: {  	s23 =	simm.s32 $0xDC00  }
0x164: {  	[tilespmem:s23], [sflag:$0x2] =	stream.indirect_vreg.gather [hbm4b:s15+s3], $0x80, v2, vm0, $0xb8;
	[tilespmem:$0x18400] =	vst v63  }
0x165: {  	s23 =	simm.s32 $0xE400  }
0x166: {  	[tilespmem:s23], [sflag:$0x2] =	stream.indirect_vreg.gather [hbm4b:s16+s3], $0x80, v2, vm0, $0xb8;
	[tilespmem:$0x18400] =	vst v63  }
0x167: {  	s23 =	simm.s32 $0xEC00  }
0x168: {  	[tilespmem:s23], [sflag:$0x2] =	stream.indirect_vreg.gather [hbm4b:s17+s3], $0x80, v2, vm0, $0xb8;
	[tilespmem:$0x18400] =	vst v63  }
0x169: {  	s23 =	simm.s32 $0xF400  }
0x16a: {  	[tilespmem:s23], [sflag:$0x2] =	stream.indirect_vreg.gather [hbm4b:s18+s3], $0x80, v2, vm0, $0xb8;
	[tilespmem:$0x18400] =	vst v63  }
0x16b: {  	p0 =	sne.s32 s25, $0x78000;
	s23 =	simm.s32 $0xFC00  }
0x16c: {  	[tilespmem:s23], [sflag:$0x2] =	stream.indirect_vreg.gather [hbm4b:s19+s3], $0x80, v2, vm0, $0xb8;
	[tilespmem:$0x18400] =	vst v63  }
.Ltmp0:
0x16d: {  	_ = 	snop;
	(pc) =	sbr.rel @p0 .LBB2_2-.Ltmp0, $4  }
0x16e: {  	s31 =	simm.s32 $0x400;
	s28 =	simm.s32 $0x8400;
	_ =	swait.ge [sflag:s26], $0x8000  }
0x16f: {  	s25 =	sadd.s32 $0x3000, s25;
	s30 =	sadd.s32 $0x5000, s30;
	[sflag:s26] =	ssyncset.done $0x0  }
0x170: {  	s29 =	sadd.s32 $0x18, s29;
	s0 =	simm.s32 $0x10400;
	[sflag:s26] =	ssyncadd.s32 $0xFFFF8000  }
0x171: {  	[hbm4b:s30+s3] =	stream.linear.scatter [tilespmem:s0], [sflag:$0x6], $0x8000, $0x38;
	[tilespmem:$0x18400] =	vst v63  }
0x172: {  	_ =	swait.ge [sflag:s22], $0x8000  }
0x173: {  	[sflag:s22] =	ssyncset.done $0x0  }
0x174: {  	[sflag:s22] =	ssyncadd.s32 $0xFFFF8000  }
0x175: {  	_ =	swait.ge [sflag:s20], $0x8000  }
0x176: {  	[sflag:s20] =	ssyncset.done $0x0  }
0x177: {  	s23 =	rddreg [dreg:$0x9];
	[sflag:s20] =	ssyncadd.s32 $0xFFFF8000  }
0x178: {  	[hbm4b:s23+s3] =	stream.linear.scatter [tilespmem:s31], [sflag:$0x4], $0x8000, $0x38;
	[tilespmem:$0x18400] =	vst v63  }
0x179: {  	_ =	swait.ge [sflag:s1], $0x8000  }
0x17a: {  	[sflag:s1] =	ssyncset.done $0x0  }
0x17b: {  	[sflag:s1] =	ssyncadd.s32 $0xFFFF8000  }
0x17c: {  	_ =	swait.ge [sflag:s24], $0x8000  }
0x17d: {  	[sflag:s24] =	ssyncset.done $0x0  }
0x17e: {  	s0 =	rddreg [dreg:$0xa];
	[sflag:s24] =	ssyncadd.s32 $0xFFFF8000  }
0x17f: {  	[hbm4b:s0+s3] =	stream.linear.scatter [tilespmem:s28], [sflag:$0x5], $0x8000, $0x38;
	[tilespmem:$0x18400] =	vst v63  }
0x180: {  	_ =	swait.ge [sflag:s4], $0x8000  }
0x181: {  	s28 =	rddreg [dreg:$0xc]  }
0x182: {  	s25 =	rddreg [dreg:$0xb];
	s28 =	sadd.s32 $0x1, s28  }
0x183: {  	p0 =	sne.s32 s28, s25  }
.Ltmp1:
0x184: {  	_ = 	snop;
	(pc) =	sbr.rel @p0 .LBB2_1-.Ltmp1, $4  }
0x185: {  	_ = 	snop  }
0x186: {  	s29 =	simm.s32 $0x2400  }
0x187: {  	s30 =	simm.s32 $0x2C00;
	s31 =	simm.s32 $0x3400;
	[sflag:s4] =	ssyncset.done $0x0  }
0x188: {  	s0 =	simm.s32 $0x1400;
	[sflag:s4] =	ssyncadd.s32 $0xFFFF8000;
	s25 =	simm.s32 $0xC00  }
0x189: {  	_ =	sfence.sel $0x180000  }
0x18a: {  	[bflag:$0x0] =	sbarrier.arrive $0xFFFF  }
0x18b: {  	_ =	strace $0x90000047  }
0x18c: {  	s0 =	stileid.u32;
	[bflag:$0x2] =	sbarrier.arrive $0xFFFF  }
0x18d: {  	p0 =	sne.s32 s0, $0x0;
	s0 =	rddreg [dreg:$0x3]  }
0x18e: {  	s0 =	sadd.s32 @!p0 $0x100000, s0  }
0x18f: {  	[sflag:s0] =	ssyncadd.tile.s32 @!p0 $0x1;
	_ =	shalt  }
.Lfunc_end2:
_tile_overlayer_lowered:
.L_overlay_start_2:
0x190: {  	(tag) =	ssettag $0x2  }
0x191: {  	s0 =	rddreg [dreg:$0x0];
	s2 =	stileid.u32  }
0x192: {  	s1 =	rddreg [dreg:$0x1];
	p0 =	sne.s32 s2, $0x0  }
0x193: {  	s3 =	rddreg [dreg:$0x2];
	[bflag:$0x3] =	sbarrier.arrive $0xFFFF;
	s2 =	simm.s32 @!p0 $0x1C07  }
0x194: {  	[timem:s3], [sflag:s2] =	dma.local @!p0 [hbm:s0], s1  }
0x195: {  	s0 =	simm.s32 @!p0 $0x7  }
0x196: {  	_ =	swait.ge @!p0 [sflag:s0], s1  }
0x197: {  	s1 =	ssub.s32 @!p0 $0x0, s1;
	[sflag:s0] =	ssyncset.done @!p0 $0x0  }
0x198: {  	[sflag:s0] =	ssyncadd.s32 @!p0 s1  }
0x199: {  	[bflag:$0x3] =	sbarrier.arrive $0xFFFF  }
0x19a: {  	_ =	shalt  }

</sc_bundles>
